<compile_context>
chip_gen: v7x
topology: tpu7x:2x2x1
jax: 0.10.2.dev20260603
libtpu: 0.0.44.dev20260713+nightly
codegen_flags: <defaults>
</compile_context>

<pallas_src>
import functools

import jax
import jax.numpy as jnp
from jax import lax
from jax.experimental import pallas as pl
from jax.experimental.pallas import tpu as pltpu
from jax.experimental.pallas import tpu_sc as plsc

_NUM_CORES = 2
_NUM_SUBCORES = 16
_NUM_WORKERS = _NUM_CORES * _NUM_SUBCORES
_LANES = 16
_NBUF = 4


@functools.lru_cache(maxsize=None)
def _build(B, T, V, D):
    N = B * T
    assert N % _NUM_WORKERS == 0
    rows_per_w = N // _NUM_WORKERS
    assert rows_per_w % T == 0
    nchunks = rows_per_w // T
    assert nchunks % _NBUF == 0
    lanes_per_row = D // _LANES

    mesh = plsc.VectorSubcoreMesh(core_axis_name="c", subcore_axis_name="s")

    @functools.partial(
        pl.kernel,
        out_type=jax.ShapeDtypeStruct((N, D), jnp.float32),
        mesh=mesh,
        compiler_params=pltpu.CompilerParams(use_tc_tiling_on_sc=False),
        scratch_types=[
            pltpu.VMEM((rows_per_w,), jnp.int32),
            pltpu.VMEM((T, D), jnp.float32),
            *[pltpu.VMEM((T, D), jnp.float32)] * _NBUF,
            *[pltpu.SemaphoreType.DMA] * _NBUF,
            *[pltpu.SemaphoreType.DMA] * _NBUF,
        ],
    )
    def emb(x_hbm, tok_hbm, pos_hbm, out_hbm, idx_v, pos_v, *bufs):
        rows = bufs[:_NBUF]
        gsem = bufs[_NBUF:2 * _NBUF]
        ssem = bufs[2 * _NBUF:]
        wid = lax.axis_index("s") * _NUM_CORES + lax.axis_index("c")
        base = wid * rows_per_w
        pltpu.sync_copy(x_hbm.at[pl.ds(base, rows_per_w)], idx_v)
        pltpu.sync_copy(pos_hbm, pos_v)

        def gather_desc(t, b):
            return pltpu.make_async_copy(
                tok_hbm.at[idx_v.at[pl.ds(t * T, T)]], rows[b], gsem[b]
            )

        def scatter_desc(t, b):
            return pltpu.make_async_copy(
                rows[b], out_hbm.at[pl.ds(base + t * T, T)], ssem[b]
            )

        gather_desc(0, 0).start()

        def outer(i, carry):
            for b in range(_NBUF):
                t = i * _NBUF + b
                nb = (b + 1) % _NBUF

                @pl.when(t >= _NBUF - 1)
                def _():
                    scatter_desc(t - (_NBUF - 1), nb).wait()

                @pl.when(t + 1 < nchunks)
                def _():
                    gather_desc(t + 1, nb).start()

                gather_desc(t, b).wait()

                @plsc.parallel_loop(0, T, unroll=8)
                def _(r):
                    for c in range(lanes_per_row):
                        sl = pl.ds(c * _LANES, _LANES)
                        plsc.addupdate(rows[b].at[r, sl], pos_v[r, sl])

                scatter_desc(t, b).start()
            return carry

        lax.fori_loop(0, nchunks // _NBUF, outer, 0)
        for t in range(nchunks - _NBUF + 1, nchunks):
            scatter_desc(t, t % _NBUF).wait()

    return emb


def kernel(x, token_table, pos_table):
    B, T = x.shape
    V, D = token_table.shape
    emb = _build(B, T, V, D)
    flat_idx = x.reshape(-1).astype(jnp.int32)
    out = emb(flat_idx, token_table, pos_table)
    return out.reshape(B, T, D)

# --- scband reference (transcript-rebuilt; emitter-appended) ---
"""Pipeline reference for scband-token-and-position-embedding-38878043963558 (READ-ONLY COPY).

The authoritative reference and input builder live on the scoring server;
editing this copy changes nothing except your own understanding.
"""

import jax, jax.numpy as jnp
import numpy as np

MAXLEN = 200
VOCAB_SIZE = 1000000
EMBED_DIM = 64
BATCH = 1024

def setup_inputs(seed: int = 0) -> dict:
    key = jax.random.key(seed)
    k1, k2, k3 = jax.random.split(key, 3)
    x = jax.random.randint(k1, (BATCH, MAXLEN), 0, VOCAB_SIZE, dtype=jnp.int64 if jax.config.jax_enable_x64 else jnp.int32)
    token_table = jax.random.normal(k2, (VOCAB_SIZE, EMBED_DIM), dtype=jnp.float32) * 0.05
    pos_table = jax.random.normal(k3, (MAXLEN, EMBED_DIM), dtype=jnp.float32) * 0.05
    return {"x": x, "token_table": token_table, "pos_table": pos_table}

def reference(x, token_table, pos_table):
    # TokenAndPositionEmbedding.call with training=False (dropout is identity)
    maxlen = x.shape[-1]
    positions = jnp.arange(maxlen)
    pos_emb = jnp.take(pos_table, positions, axis=0)          # [maxlen, embed_dim]
    tok_emb = jnp.take(token_table, x, axis=0)                # [B, maxlen, embed_dim]
    out = tok_emb + pos_emb[None, :, :]
    return out

if __name__ == "__main__":
    import jax
    _d = setup_inputs()
    print(jax.jit(kernel)(*tuple(_d.values())))

</pallas_src>

<mosaic_0001>
#map = affine_map<(d0, d1) -> (0)>
#map1 = affine_map<(d0, d1) -> (0, 0)>
module attributes {stable_mosaic.version = 14 : i64} {
  func.func @emb(%arg0: i32, %arg1: i32, %arg2: memref<204800xi32, #tpu.memory_space<hbm>>, %arg3: memref<1000000x64xf32, #tpu.memory_space<hbm>>, %arg4: memref<200x64xf32, #tpu.memory_space<hbm>>, %arg5: memref<204800x64xf32, #tpu.memory_space<hbm>>, %arg6: memref<6400xi32, #tpu.memory_space<vmem>>, %arg7: memref<200x64xf32, #tpu.memory_space<vmem>>, %arg8: memref<200x64xf32, #tpu.memory_space<vmem>>, %arg9: memref<200x64xf32, #tpu.memory_space<vmem>>, %arg10: memref<200x64xf32, #tpu.memory_space<vmem>>, %arg11: memref<200x64xf32, #tpu.memory_space<vmem>>, %arg12: memref<!tpu.dma_semaphore, #tpu.memory_space<semaphore_mem>>, %arg13: memref<!tpu.dma_semaphore, #tpu.memory_space<semaphore_mem>>, %arg14: memref<!tpu.dma_semaphore, #tpu.memory_space<semaphore_mem>>, %arg15: memref<!tpu.dma_semaphore, #tpu.memory_space<semaphore_mem>>, %arg16: memref<!tpu.dma_semaphore, #tpu.memory_space<semaphore_mem>>, %arg17: memref<!tpu.dma_semaphore, #tpu.memory_space<semaphore_mem>>, %arg18: memref<!tpu.dma_semaphore, #tpu.memory_space<semaphore_mem>>, %arg19: memref<!tpu.dma_semaphore, #tpu.memory_space<semaphore_mem>>) attributes {dimension_semantics = [#tpu.dimension_semantics<core_parallel>, #tpu.dimension_semantics<subcore_parallel>], iteration_bounds = array<i64: 2, 16>, scalar_prefetch = 0 : i64, scratch_operands = 14 : i64, tpu.core_type = #tpu.core_type<sc_vector_subcore>, window_params = [{transform_indices = #map}, {transform_indices = #map1}, {transform_indices = #map1}, {transform_indices = #map1}]} {
    %mul3A = arith.constant 2 : i32
    %mul3A_0 = arith.muli %arg1, %mul3A : i32
    %add3A = arith.addi %mul3A_0, %arg0 : i32
    %mul3A_1 = arith.constant 6400 : i32
    %mul3A_2 = arith.muli %add3A, %mul3A_1 : i32
    "tpu.region"() ({
      %run_scoped3A = tpu.sem_alloc : memref<!tpu.dma_semaphore, #tpu.memory_space<semaphore_mem>>
      %dma_start3A_29 = tpu.memref_slice %arg2[%mul3A_2] : memref<204800xi32, #tpu.memory_space<hbm>> -> memref<6400xi32, #tpu.memory_space<hbm>>
      %dma_start3A_30 = tpu.memref_slice %arg2[%mul3A_2] : memref<204800xi32, #tpu.memory_space<hbm>> -> memref<6400xi32, #tpu.memory_space<hbm>>
      tpu.enqueue_dma source(%dma_start3A_30 : memref<6400xi32, #tpu.memory_space<hbm>>) target(%arg6 : memref<6400xi32, #tpu.memory_space<vmem>>) target_semaphore(%run_scoped3A : memref<!tpu.dma_semaphore, #tpu.memory_space<semaphore_mem>>)
      %dma_wait3A_31 = tpu.memref_slice %arg2[%mul3A_2] : memref<204800xi32, #tpu.memory_space<hbm>> -> memref<6400xi32, #tpu.memory_space<hbm>>
      %dma_wait3A_32 = tpu.memref_slice %arg2[%mul3A_2] : memref<204800xi32, #tpu.memory_space<hbm>> -> memref<6400xi32, #tpu.memory_space<hbm>>
      tpu.wait_dma2 semaphore(%run_scoped3A : memref<!tpu.dma_semaphore, #tpu.memory_space<semaphore_mem>>) src(%dma_wait3A_32 : memref<6400xi32, #tpu.memory_space<hbm>>) dst(%arg6 : memref<6400xi32, #tpu.memory_space<vmem>>)
      tpu.yield
    }) : () -> ()
    "tpu.region"() ({
      %run_scoped3A = tpu.sem_alloc : memref<!tpu.dma_semaphore, #tpu.memory_space<semaphore_mem>>
      tpu.enqueue_dma source(%arg4 : memref<200x64xf32, #tpu.memory_space<hbm>>) target(%arg7 : memref<200x64xf32, #tpu.memory_space<vmem>>) target_semaphore(%run_scoped3A : memref<!tpu.dma_semaphore, #tpu.memory_space<semaphore_mem>>)
      tpu.wait_dma2 semaphore(%run_scoped3A : memref<!tpu.dma_semaphore, #tpu.memory_space<semaphore_mem>>) src(%arg4 : memref<200x64xf32, #tpu.memory_space<hbm>>) dst(%arg7 : memref<200x64xf32, #tpu.memory_space<vmem>>)
      tpu.yield
    }) : () -> ()
    %dma_start3A = arith.constant 0 : i32
    %dma_start3A_3 = tpu.memref_slice %arg6[%dma_start3A] : memref<6400xi32, #tpu.memory_space<vmem>> -> memref<200xi32, #tpu.memory_space<vmem>>
    %dma_start3A_4 = arith.constant 0 : i32
    %dma_start3A_5 = arith.constant 0 : i32
    %dma_start3A_6 = tpu.memref_slice %arg3[%dma_start3A_4, %dma_start3A_5] : memref<1000000x64xf32, #tpu.memory_space<hbm>> -> memref<1000000x64xf32, #tpu.memory_space<hbm>>
    tpu.enqueue_indirect_dma source(%dma_start3A_6 : memref<1000000x64xf32, #tpu.memory_space<hbm>>) target(%arg8 : memref<200x64xf32, #tpu.memory_space<vmem>>) offsets(%dma_start3A_3 : memref<200xi32, #tpu.memory_space<vmem>>) semaphore(%arg12 : memref<!tpu.dma_semaphore, #tpu.memory_space<semaphore_mem>>)
    %scan3A = arith.constant 0 : i32
    %scan3A_7 = arith.constant 0 : i32
    %scan3A_8 = arith.constant 8 : i32
    %scan3A_9 = arith.addi %scan3A_7, %scan3A_8 : i32
    %scan3A_10 = arith.constant 1 : i32
    scf.for %scan3A_29 = %scan3A_7 to %scan3A_9 step %scan3A_10  : i32 {
      %mul3A_30 = arith.constant 4 : i32
      %mul3A_31 = arith.muli %scan3A_29, %mul3A_30 : i32
      %add3A_32 = arith.constant 0 : i32
      %add3A_33 = arith.addi %mul3A_31, %add3A_32 : i32
      %ge3A = arith.constant 3 : i32
      %ge3A_34 = arith.cmpi sge, %add3A_33, %ge3A : i32
      %convert_element_type3A = arith.extui %ge3A_34 : i1 to i32
      %cond3A = arith.constant 0 : i32
      %cond3A_35 = arith.cmpi ne, %convert_element_type3A, %cond3A : i32
      scf.if %cond3A_35 {
        %sub3A = arith.constant 3 : i32
        %sub3A_153 = arith.subi %add3A_33, %sub3A : i32
        %mul3A_154 = arith.constant 200 : i32
        %mul3A_155 = arith.muli %sub3A_153, %mul3A_154 : i32
        %add3A_156 = arith.addi %mul3A_2, %mul3A_155 : i32
        %dma_wait3A_157 = arith.constant 0 : i32
        %dma_wait3A_158 = tpu.memref_slice %arg5[%add3A_156, %dma_wait3A_157] : memref<204800x64xf32, #tpu.memory_space<hbm>> -> memref<200x64xf32, #tpu.memory_space<hbm>>
        %dma_wait3A_159 = arith.constant 0 : i32
        %dma_wait3A_160 = tpu.memref_slice %arg5[%add3A_156, %dma_wait3A_159] : memref<204800x64xf32, #tpu.memory_space<hbm>> -> memref<200x64xf32, #tpu.memory_space<hbm>>
        tpu.wait_dma2 semaphore(%arg17 : memref<!tpu.dma_semaphore, #tpu.memory_space<semaphore_mem>>) src(%arg9 : memref<200x64xf32, #tpu.memory_space<vmem>>) dst(%dma_wait3A_160 : memref<200x64xf32, #tpu.memory_space<hbm>>)
      } else {
      }
      %add3A_36 = arith.constant 1 : i32
      %add3A_37 = arith.addi %add3A_33, %add3A_36 : i32
      %lt3A = arith.constant 32 : i32
      %lt3A_38 = arith.cmpi slt, %add3A_37, %lt3A : i32
      %convert_element_type3A_39 = arith.extui %lt3A_38 : i1 to i32
      %cond3A_40 = arith.constant 0 : i32
      %cond3A_41 = arith.cmpi ne, %convert_element_type3A_39, %cond3A_40 : i32
      scf.if %cond3A_41 {
        %add3A_153 = arith.constant 1 : i32
        %add3A_154 = arith.addi %add3A_33, %add3A_153 : i32
        %mul3A_155 = arith.constant 200 : i32
        %mul3A_156 = arith.muli %add3A_154, %mul3A_155 : i32
        %dma_start3A_157 = tpu.memref_slice %arg6[%mul3A_156] : memref<6400xi32, #tpu.memory_space<vmem>> -> memref<200xi32, #tpu.memory_space<vmem>>
        %dma_start3A_158 = arith.constant 0 : i32
        %dma_start3A_159 = arith.constant 0 : i32
        %dma_start3A_160 = tpu.memref_slice %arg3[%dma_start3A_158, %dma_start3A_159] : memref<1000000x64xf32, #tpu.memory_space<hbm>> -> memref<1000000x64xf32, #tpu.memory_space<hbm>>
        tpu.enqueue_indirect_dma source(%dma_start3A_160 : memref<1000000x64xf32, #tpu.memory_space<hbm>>) target(%arg9 : memref<200x64xf32, #tpu.memory_space<vmem>>) offsets(%dma_start3A_157 : memref<200xi32, #tpu.memory_space<vmem>>) semaphore(%arg13 : memref<!tpu.dma_semaphore, #tpu.memory_space<semaphore_mem>>)
      } else {
      }
      %mul3A_42 = arith.constant 200 : i32
      %mul3A_43 = arith.muli %add3A_33, %mul3A_42 : i32
      %dma_wait3A_44 = tpu.memref_slice %arg6[%mul3A_43] : memref<6400xi32, #tpu.memory_space<vmem>> -> memref<200xi32, #tpu.memory_space<vmem>>
      %dma_wait3A_45 = arith.constant 0 : i32
      %dma_wait3A_46 = arith.constant 0 : i32
      %dma_wait3A_47 = tpu.memref_slice %arg3[%dma_wait3A_45, %dma_wait3A_46] : memref<1000000x64xf32, #tpu.memory_space<hbm>> -> memref<1000000x64xf32, #tpu.memory_space<hbm>>
      tpu.wait_indirect_dma semaphore(%arg12 : memref<!tpu.dma_semaphore, #tpu.memory_space<semaphore_mem>>) src(%dma_wait3A_47 : memref<1000000x64xf32, #tpu.memory_space<hbm>>) dst(%arg8 : memref<200x64xf32, #tpu.memory_space<vmem>>)
      %parallel_loop3A = arith.constant 0 : i32
      %parallel_loop3A_48 = arith.constant 200 : i32
      %parallel_loop3A_49 = arith.constant 1 : i32
      scf.for %parallel_loop3A_153 = %parallel_loop3A to %parallel_loop3A_48 step %parallel_loop3A_49  : i32 {
        %parallel_loop3A_154 = arith.index_cast %parallel_loop3A_153 : i32 to index
        %parallel_loop3A_155 = arith.constant 0 : index
        %parallel_loop3A_156 = tpu.vector_load %arg7[%parallel_loop3A_154, %parallel_loop3A_155] {strides = array<i32>} : memref<200x64xf32, #tpu.memory_space<vmem>>, vector<1x16xf32>,
        %parallel_loop3A_157 = vector.shape_cast %parallel_loop3A_156 : vector<1x16xf32> to vector<16xf32>
        %parallel_loop3A_158 = arith.index_cast %parallel_loop3A_153 : i32 to index
        %parallel_loop3A_159 = arith.constant 0 : index
        %parallel_loop3A_160 = tpu.vector_load %arg8[%parallel_loop3A_158, %parallel_loop3A_159] {strides = array<i32>} : memref<200x64xf32, #tpu.memory_space<vmem>>, vector<1x16xf32>,
        %parallel_loop3A_161 = vector.shape_cast %parallel_loop3A_160 : vector<1x16xf32> to vector<16xf32>
        %parallel_loop3A_162 = vector.shape_cast %parallel_loop3A_157 : vector<16xf32> to vector<1x16xf32>
        tpu.vector_store %arg8[%parallel_loop3A_158, %parallel_loop3A_159], %parallel_loop3A_162 {add = true, strides = array<i32>} : memref<200x64xf32, #tpu.memory_space<vmem>>, vector<1x16xf32>,
        %parallel_loop3A_163 = arith.index_cast %parallel_loop3A_153 : i32 to index
        %parallel_loop3A_164 = arith.constant 16 : index
        %parallel_loop3A_165 = tpu.vector_load %arg7[%parallel_loop3A_163, %parallel_loop3A_164] {strides = array<i32>} : memref<200x64xf32, #tpu.memory_space<vmem>>, vector<1x16xf32>,
        %parallel_loop3A_166 = vector.shape_cast %parallel_loop3A_165 : vector<1x16xf32> to vector<16xf32>
        %parallel_loop3A_167 = arith.index_cast %parallel_loop3A_153 : i32 to index
        %parallel_loop3A_168 = arith.constant 16 : index
        %parallel_loop3A_169 = tpu.vector_load %arg8[%parallel_loop3A_167, %parallel_loop3A_168] {strides = array<i32>} : memref<200x64xf32, #tpu.memory_space<vmem>>, vector<1x16xf32>,
        %parallel_loop3A_170 = vector.shape_cast %parallel_loop3A_169 : vector<1x16xf32> to vector<16xf32>
        %parallel_loop3A_171 = vector.shape_cast %parallel_loop3A_166 : vector<16xf32> to vector<1x16xf32>
        tpu.vector_store %arg8[%parallel_loop3A_167, %parallel_loop3A_168], %parallel_loop3A_171 {add = true, strides = array<i32>} : memref<200x64xf32, #tpu.memory_space<vmem>>, vector<1x16xf32>,
        %parallel_loop3A_172 = arith.index_cast %parallel_loop3A_153 : i32 to index
        %parallel_loop3A_173 = arith.constant 32 : index
        %parallel_loop3A_174 = tpu.vector_load %arg7[%parallel_loop3A_172, %parallel_loop3A_173] {strides = array<i32>} : memref<200x64xf32, #tpu.memory_space<vmem>>, vector<1x16xf32>,
        %parallel_loop3A_175 = vector.shape_cast %parallel_loop3A_174 : vector<1x16xf32> to vector<16xf32>
        %parallel_loop3A_176 = arith.index_cast %parallel_loop3A_153 : i32 to index
        %parallel_loop3A_177 = arith.constant 32 : index
        %parallel_loop3A_178 = tpu.vector_load %arg8[%parallel_loop3A_176, %parallel_loop3A_177] {strides = array<i32>} : memref<200x64xf32, #tpu.memory_space<vmem>>, vector<1x16xf32>,
        %parallel_loop3A_179 = vector.shape_cast %parallel_loop3A_178 : vector<1x16xf32> to vector<16xf32>
        %parallel_loop3A_180 = vector.shape_cast %parallel_loop3A_175 : vector<16xf32> to vector<1x16xf32>
        tpu.vector_store %arg8[%parallel_loop3A_176, %parallel_loop3A_177], %parallel_loop3A_180 {add = true, strides = array<i32>} : memref<200x64xf32, #tpu.memory_space<vmem>>, vector<1x16xf32>,
        %parallel_loop3A_181 = arith.index_cast %parallel_loop3A_153 : i32 to index
        %parallel_loop3A_182 = arith.constant 48 : index
        %parallel_loop3A_183 = tpu.vector_load %arg7[%parallel_loop3A_181, %parallel_loop3A_182] {strides = array<i32>} : memref<200x64xf32, #tpu.memory_space<vmem>>, vector<1x16xf32>,
        %parallel_loop3A_184 = vector.shape_cast %parallel_loop3A_183 : vector<1x16xf32> to vector<16xf32>
        %parallel_loop3A_185 = arith.index_cast %parallel_loop3A_153 : i32 to index
        %parallel_loop3A_186 = arith.constant 48 : index
        %parallel_loop3A_187 = tpu.vector_load %arg8[%parallel_loop3A_185, %parallel_loop3A_186] {strides = array<i32>} : memref<200x64xf32, #tpu.memory_space<vmem>>, vector<1x16xf32>,
        %parallel_loop3A_188 = vector.shape_cast %parallel_loop3A_187 : vector<1x16xf32> to vector<16xf32>
        %parallel_loop3A_189 = vector.shape_cast %parallel_loop3A_184 : vector<16xf32> to vector<1x16xf32>
        tpu.vector_store %arg8[%parallel_loop3A_185, %parallel_loop3A_186], %parallel_loop3A_189 {add = true, strides = array<i32>} : memref<200x64xf32, #tpu.memory_space<vmem>>, vector<1x16xf32>,
      } {sc.loop_unroll_factor = 8 : i64, sc.parallel_access}
      %mul3A_50 = arith.constant 200 : i32
      %mul3A_51 = arith.muli %add3A_33, %mul3A_50 : i32
      %add3A_52 = arith.addi %mul3A_2, %mul3A_51 : i32
      %dma_start3A_53 = arith.constant 0 : i32
      %dma_start3A_54 = tpu.memref_slice %arg5[%add3A_52, %dma_start3A_53] : memref<204800x64xf32, #tpu.memory_space<hbm>> -> memref<200x64xf32, #tpu.memory_space<hbm>>
      %dma_start3A_55 = arith.constant 0 : i32
      %dma_start3A_56 = tpu.memref_slice %arg5[%add3A_52, %dma_start3A_55] : memref<204800x64xf32, #tpu.memory_space<hbm>> -> memref<200x64xf32, #tpu.memory_space<hbm>>
      tpu.enqueue_dma source(%arg8 : memref<200x64xf32, #tpu.memory_space<vmem>>) target(%dma_start3A_56 : memref<200x64xf32, #tpu.memory_space<hbm>>) target_semaphore(%arg16 : memref<!tpu.dma_semaphore, #tpu.memory_space<semaphore_mem>>)
      %mul3A_57 = arith.constant 4 : i32
      %mul3A_58 = arith.muli %scan3A_29, %mul3A_57 : i32
      %add3A_59 = arith.constant 1 : i32
      %add3A_60 = arith.addi %mul3A_58, %add3A_59 : i32
      %ge3A_61 = arith.constant 3 : i32
      %ge3A_62 = arith.cmpi sge, %add3A_60, %ge3A_61 : i32
      %convert_element_type3A_63 = arith.extui %ge3A_62 : i1 to i32
      %cond3A_64 = arith.constant 0 : i32
      %cond3A_65 = arith.cmpi ne, %convert_element_type3A_63, %cond3A_64 : i32
      scf.if %cond3A_65 {
        %sub3A = arith.constant 3 : i32
        %sub3A_153 = arith.subi %add3A_60, %sub3A : i32
        %mul3A_154 = arith.constant 200 : i32
        %mul3A_155 = arith.muli %sub3A_153, %mul3A_154 : i32
        %add3A_156 = arith.addi %mul3A_2, %mul3A_155 : i32
        %dma_wait3A_157 = arith.constant 0 : i32
        %dma_wait3A_158 = tpu.memref_slice %arg5[%add3A_156, %dma_wait3A_157] : memref<204800x64xf32, #tpu.memory_space<hbm>> -> memref<200x64xf32, #tpu.memory_space<hbm>>
        %dma_wait3A_159 = arith.constant 0 : i32
        %dma_wait3A_160 = tpu.memref_slice %arg5[%add3A_156, %dma_wait3A_159] : memref<204800x64xf32, #tpu.memory_space<hbm>> -> memref<200x64xf32, #tpu.memory_space<hbm>>
        tpu.wait_dma2 semaphore(%arg18 : memref<!tpu.dma_semaphore, #tpu.memory_space<semaphore_mem>>) src(%arg10 : memref<200x64xf32, #tpu.memory_space<vmem>>) dst(%dma_wait3A_160 : memref<200x64xf32, #tpu.memory_space<hbm>>)
      } else {
      }
      %add3A_66 = arith.constant 1 : i32
      %add3A_67 = arith.addi %add3A_60, %add3A_66 : i32
      %lt3A_68 = arith.constant 32 : i32
      %lt3A_69 = arith.cmpi slt, %add3A_67, %lt3A_68 : i32
      %convert_element_type3A_70 = arith.extui %lt3A_69 : i1 to i32
      %cond3A_71 = arith.constant 0 : i32
      %cond3A_72 = arith.cmpi ne, %convert_element_type3A_70, %cond3A_71 : i32
      scf.if %cond3A_72 {
        %add3A_153 = arith.constant 1 : i32
        %add3A_154 = arith.addi %add3A_60, %add3A_153 : i32
        %mul3A_155 = arith.constant 200 : i32
        %mul3A_156 = arith.muli %add3A_154, %mul3A_155 : i32
        %dma_start3A_157 = tpu.memref_slice %arg6[%mul3A_156] : memref<6400xi32, #tpu.memory_space<vmem>> -> memref<200xi32, #tpu.memory_space<vmem>>
        %dma_start3A_158 = arith.constant 0 : i32
        %dma_start3A_159 = arith.constant 0 : i32
        %dma_start3A_160 = tpu.memref_slice %arg3[%dma_start3A_158, %dma_start3A_159] : memref<1000000x64xf32, #tpu.memory_space<hbm>> -> memref<1000000x64xf32, #tpu.memory_space<hbm>>
        tpu.enqueue_indirect_dma source(%dma_start3A_160 : memref<1000000x64xf32, #tpu.memory_space<hbm>>) target(%arg10 : memref<200x64xf32, #tpu.memory_space<vmem>>) offsets(%dma_start3A_157 : memref<200xi32, #tpu.memory_space<vmem>>) semaphore(%arg14 : memref<!tpu.dma_semaphore, #tpu.memory_space<semaphore_mem>>)
      } else {
      }
      %mul3A_73 = arith.constant 200 : i32
      %mul3A_74 = arith.muli %add3A_60, %mul3A_73 : i32
      %dma_wait3A_75 = tpu.memref_slice %arg6[%mul3A_74] : memref<6400xi32, #tpu.memory_space<vmem>> -> memref<200xi32, #tpu.memory_space<vmem>>
      %dma_wait3A_76 = arith.constant 0 : i32
      %dma_wait3A_77 = arith.constant 0 : i32
      %dma_wait3A_78 = tpu.memref_slice %arg3[%dma_wait3A_76, %dma_wait3A_77] : memref<1000000x64xf32, #tpu.memory_space<hbm>> -> memref<1000000x64xf32, #tpu.memory_space<hbm>>
      tpu.wait_indirect_dma semaphore(%arg13 : memref<!tpu.dma_semaphore, #tpu.memory_space<semaphore_mem>>) src(%dma_wait3A_78 : memref<1000000x64xf32, #tpu.memory_space<hbm>>) dst(%arg9 : memref<200x64xf32, #tpu.memory_space<vmem>>)
      %parallel_loop3A_79 = arith.constant 0 : i32
      %parallel_loop3A_80 = arith.constant 200 : i32
      %parallel_loop3A_81 = arith.constant 1 : i32
      scf.for %parallel_loop3A_153 = %parallel_loop3A_79 to %parallel_loop3A_80 step %parallel_loop3A_81  : i32 {
        %parallel_loop3A_154 = arith.index_cast %parallel_loop3A_153 : i32 to index
        %parallel_loop3A_155 = arith.constant 0 : index
        %parallel_loop3A_156 = tpu.vector_load %arg7[%parallel_loop3A_154, %parallel_loop3A_155] {strides = array<i32>} : memref<200x64xf32, #tpu.memory_space<vmem>>, vector<1x16xf32>,
        %parallel_loop3A_157 = vector.shape_cast %parallel_loop3A_156 : vector<1x16xf32> to vector<16xf32>
        %parallel_loop3A_158 = arith.index_cast %parallel_loop3A_153 : i32 to index
        %parallel_loop3A_159 = arith.constant 0 : index
        %parallel_loop3A_160 = tpu.vector_load %arg9[%parallel_loop3A_158, %parallel_loop3A_159] {strides = array<i32>} : memref<200x64xf32, #tpu.memory_space<vmem>>, vector<1x16xf32>,
        %parallel_loop3A_161 = vector.shape_cast %parallel_loop3A_160 : vector<1x16xf32> to vector<16xf32>
        %parallel_loop3A_162 = vector.shape_cast %parallel_loop3A_157 : vector<16xf32> to vector<1x16xf32>
        tpu.vector_store %arg9[%parallel_loop3A_158, %parallel_loop3A_159], %parallel_loop3A_162 {add = true, strides = array<i32>} : memref<200x64xf32, #tpu.memory_space<vmem>>, vector<1x16xf32>,
        %parallel_loop3A_163 = arith.index_cast %parallel_loop3A_153 : i32 to index
        %parallel_loop3A_164 = arith.constant 16 : index
        %parallel_loop3A_165 = tpu.vector_load %arg7[%parallel_loop3A_163, %parallel_loop3A_164] {strides = array<i32>} : memref<200x64xf32, #tpu.memory_space<vmem>>, vector<1x16xf32>,
        %parallel_loop3A_166 = vector.shape_cast %parallel_loop3A_165 : vector<1x16xf32> to vector<16xf32>
        %parallel_loop3A_167 = arith.index_cast %parallel_loop3A_153 : i32 to index
        %parallel_loop3A_168 = arith.constant 16 : index
        %parallel_loop3A_169 = tpu.vector_load %arg9[%parallel_loop3A_167, %parallel_loop3A_168] {strides = array<i32>} : memref<200x64xf32, #tpu.memory_space<vmem>>, vector<1x16xf32>,
        %parallel_loop3A_170 = vector.shape_cast %parallel_loop3A_169 : vector<1x16xf32> to vector<16xf32>
        %parallel_loop3A_171 = vector.shape_cast %parallel_loop3A_166 : vector<16xf32> to vector<1x16xf32>
        tpu.vector_store %arg9[%parallel_loop3A_167, %parallel_loop3A_168], %parallel_loop3A_171 {add = true, strides = array<i32>} : memref<200x64xf32, #tpu.memory_space<vmem>>, vector<1x16xf32>,
        %parallel_loop3A_172 = arith.index_cast %parallel_loop3A_153 : i32 to index
        %parallel_loop3A_173 = arith.constant 32 : index
        %parallel_loop3A_174 = tpu.vector_load %arg7[%parallel_loop3A_172, %parallel_loop3A_173] {strides = array<i32>} : memref<200x64xf32, #tpu.memory_space<vmem>>, vector<1x16xf32>,
        %parallel_loop3A_175 = vector.shape_cast %parallel_loop3A_174 : vector<1x16xf32> to vector<16xf32>
        %parallel_loop3A_176 = arith.index_cast %parallel_loop3A_153 : i32 to index
        %parallel_loop3A_177 = arith.constant 32 : index
        %parallel_loop3A_178 = tpu.vector_load %arg9[%parallel_loop3A_176, %parallel_loop3A_177] {strides = array<i32>} : memref<200x64xf32, #tpu.memory_space<vmem>>, vector<1x16xf32>,
        %parallel_loop3A_179 = vector.shape_cast %parallel_loop3A_178 : vector<1x16xf32> to vector<16xf32>
        %parallel_loop3A_180 = vector.shape_cast %parallel_loop3A_175 : vector<16xf32> to vector<1x16xf32>
        tpu.vector_store %arg9[%parallel_loop3A_176, %parallel_loop3A_177], %parallel_loop3A_180 {add = true, strides = array<i32>} : memref<200x64xf32, #tpu.memory_space<vmem>>, vector<1x16xf32>,
        %parallel_loop3A_181 = arith.index_cast %parallel_loop3A_153 : i32 to index
        %parallel_loop3A_182 = arith.constant 48 : index
        %parallel_loop3A_183 = tpu.vector_load %arg7[%parallel_loop3A_181, %parallel_loop3A_182] {strides = array<i32>} : memref<200x64xf32, #tpu.memory_space<vmem>>, vector<1x16xf32>,
        %parallel_loop3A_184 = vector.shape_cast %parallel_loop3A_183 : vector<1x16xf32> to vector<16xf32>
        %parallel_loop3A_185 = arith.index_cast %parallel_loop3A_153 : i32 to index
        %parallel_loop3A_186 = arith.constant 48 : index
        %parallel_loop3A_187 = tpu.vector_load %arg9[%parallel_loop3A_185, %parallel_loop3A_186] {strides = array<i32>} : memref<200x64xf32, #tpu.memory_space<vmem>>, vector<1x16xf32>,
        %parallel_loop3A_188 = vector.shape_cast %parallel_loop3A_187 : vector<1x16xf32> to vector<16xf32>
        %parallel_loop3A_189 = vector.shape_cast %parallel_loop3A_184 : vector<16xf32> to vector<1x16xf32>
        tpu.vector_store %arg9[%parallel_loop3A_185, %parallel_loop3A_186], %parallel_loop3A_189 {add = true, strides = array<i32>} : memref<200x64xf32, #tpu.memory_space<vmem>>, vector<1x16xf32>,
      } {sc.loop_unroll_factor = 8 : i64, sc.parallel_access}
      %mul3A_82 = arith.constant 200 : i32
      %mul3A_83 = arith.muli %add3A_60, %mul3A_82 : i32
      %add3A_84 = arith.addi %mul3A_2, %mul3A_83 : i32
      %dma_start3A_85 = arith.constant 0 : i32
      %dma_start3A_86 = tpu.memref_slice %arg5[%add3A_84, %dma_start3A_85] : memref<204800x64xf32, #tpu.memory_space<hbm>> -> memref<200x64xf32, #tpu.memory_space<hbm>>
      %dma_start3A_87 = arith.constant 0 : i32
      %dma_start3A_88 = tpu.memref_slice %arg5[%add3A_84, %dma_start3A_87] : memref<204800x64xf32, #tpu.memory_space<hbm>> -> memref<200x64xf32, #tpu.memory_space<hbm>>
      tpu.enqueue_dma source(%arg9 : memref<200x64xf32, #tpu.memory_space<vmem>>) target(%dma_start3A_88 : memref<200x64xf32, #tpu.memory_space<hbm>>) target_semaphore(%arg17 : memref<!tpu.dma_semaphore, #tpu.memory_space<semaphore_mem>>)
      %mul3A_89 = arith.constant 4 : i32
      %mul3A_90 = arith.muli %scan3A_29, %mul3A_89 : i32
      %add3A_91 = arith.constant 2 : i32
      %add3A_92 = arith.addi %mul3A_90, %add3A_91 : i32
      %ge3A_93 = arith.constant 3 : i32
      %ge3A_94 = arith.cmpi sge, %add3A_92, %ge3A_93 : i32
      %convert_element_type3A_95 = arith.extui %ge3A_94 : i1 to i32
      %cond3A_96 = arith.constant 0 : i32
      %cond3A_97 = arith.cmpi ne, %convert_element_type3A_95, %cond3A_96 : i32
      scf.if %cond3A_97 {
        %sub3A = arith.constant 3 : i32
        %sub3A_153 = arith.subi %add3A_92, %sub3A : i32
        %mul3A_154 = arith.constant 200 : i32
        %mul3A_155 = arith.muli %sub3A_153, %mul3A_154 : i32
        %add3A_156 = arith.addi %mul3A_2, %mul3A_155 : i32
        %dma_wait3A_157 = arith.constant 0 : i32
        %dma_wait3A_158 = tpu.memref_slice %arg5[%add3A_156, %dma_wait3A_157] : memref<204800x64xf32, #tpu.memory_space<hbm>> -> memref<200x64xf32, #tpu.memory_space<hbm>>
        %dma_wait3A_159 = arith.constant 0 : i32
        %dma_wait3A_160 = tpu.memref_slice %arg5[%add3A_156, %dma_wait3A_159] : memref<204800x64xf32, #tpu.memory_space<hbm>> -> memref<200x64xf32, #tpu.memory_space<hbm>>
        tpu.wait_dma2 semaphore(%arg19 : memref<!tpu.dma_semaphore, #tpu.memory_space<semaphore_mem>>) src(%arg11 : memref<200x64xf32, #tpu.memory_space<vmem>>) dst(%dma_wait3A_160 : memref<200x64xf32, #tpu.memory_space<hbm>>)
      } else {
      }
      %add3A_98 = arith.constant 1 : i32
      %add3A_99 = arith.addi %add3A_92, %add3A_98 : i32
      %lt3A_100 = arith.constant 32 : i32
      %lt3A_101 = arith.cmpi slt, %add3A_99, %lt3A_100 : i32
      %convert_element_type3A_102 = arith.extui %lt3A_101 : i1 to i32
      %cond3A_103 = arith.constant 0 : i32
      %cond3A_104 = arith.cmpi ne, %convert_element_type3A_102, %cond3A_103 : i32
      scf.if %cond3A_104 {
        %add3A_153 = arith.constant 1 : i32
        %add3A_154 = arith.addi %add3A_92, %add3A_153 : i32
        %mul3A_155 = arith.constant 200 : i32
        %mul3A_156 = arith.muli %add3A_154, %mul3A_155 : i32
        %dma_start3A_157 = tpu.memref_slice %arg6[%mul3A_156] : memref<6400xi32, #tpu.memory_space<vmem>> -> memref<200xi32, #tpu.memory_space<vmem>>
        %dma_start3A_158 = arith.constant 0 : i32
        %dma_start3A_159 = arith.constant 0 : i32
        %dma_start3A_160 = tpu.memref_slice %arg3[%dma_start3A_158, %dma_start3A_159] : memref<1000000x64xf32, #tpu.memory_space<hbm>> -> memref<1000000x64xf32, #tpu.memory_space<hbm>>
        tpu.enqueue_indirect_dma source(%dma_start3A_160 : memref<1000000x64xf32, #tpu.memory_space<hbm>>) target(%arg11 : memref<200x64xf32, #tpu.memory_space<vmem>>) offsets(%dma_start3A_157 : memref<200xi32, #tpu.memory_space<vmem>>) semaphore(%arg15 : memref<!tpu.dma_semaphore, #tpu.memory_space<semaphore_mem>>)
      } else {
      }
      %mul3A_105 = arith.constant 200 : i32
      %mul3A_106 = arith.muli %add3A_92, %mul3A_105 : i32
      %dma_wait3A_107 = tpu.memref_slice %arg6[%mul3A_106] : memref<6400xi32, #tpu.memory_space<vmem>> -> memref<200xi32, #tpu.memory_space<vmem>>
      %dma_wait3A_108 = arith.constant 0 : i32
      %dma_wait3A_109 = arith.constant 0 : i32
      %dma_wait3A_110 = tpu.memref_slice %arg3[%dma_wait3A_108, %dma_wait3A_109] : memref<1000000x64xf32, #tpu.memory_space<hbm>> -> memref<1000000x64xf32, #tpu.memory_space<hbm>>
      tpu.wait_indirect_dma semaphore(%arg14 : memref<!tpu.dma_semaphore, #tpu.memory_space<semaphore_mem>>) src(%dma_wait3A_110 : memref<1000000x64xf32, #tpu.memory_space<hbm>>) dst(%arg10 : memref<200x64xf32, #tpu.memory_space<vmem>>)
      %parallel_loop3A_111 = arith.constant 0 : i32
      %parallel_loop3A_112 = arith.constant 200 : i32
      %parallel_loop3A_113 = arith.constant 1 : i32
      scf.for %parallel_loop3A_153 = %parallel_loop3A_111 to %parallel_loop3A_112 step %parallel_loop3A_113  : i32 {
        %parallel_loop3A_154 = arith.index_cast %parallel_loop3A_153 : i32 to index
        %parallel_loop3A_155 = arith.constant 0 : index
        %parallel_loop3A_156 = tpu.vector_load %arg7[%parallel_loop3A_154, %parallel_loop3A_155] {strides = array<i32>} : memref<200x64xf32, #tpu.memory_space<vmem>>, vector<1x16xf32>,
        %parallel_loop3A_157 = vector.shape_cast %parallel_loop3A_156 : vector<1x16xf32> to vector<16xf32>
        %parallel_loop3A_158 = arith.index_cast %parallel_loop3A_153 : i32 to index
        %parallel_loop3A_159 = arith.constant 0 : index
        %parallel_loop3A_160 = tpu.vector_load %arg10[%parallel_loop3A_158, %parallel_loop3A_159] {strides = array<i32>} : memref<200x64xf32, #tpu.memory_space<vmem>>, vector<1x16xf32>,
        %parallel_loop3A_161 = vector.shape_cast %parallel_loop3A_160 : vector<1x16xf32> to vector<16xf32>
        %parallel_loop3A_162 = vector.shape_cast %parallel_loop3A_157 : vector<16xf32> to vector<1x16xf32>
        tpu.vector_store %arg10[%parallel_loop3A_158, %parallel_loop3A_159], %parallel_loop3A_162 {add = true, strides = array<i32>} : memref<200x64xf32, #tpu.memory_space<vmem>>, vector<1x16xf32>,
        %parallel_loop3A_163 = arith.index_cast %parallel_loop3A_153 : i32 to index
        %parallel_loop3A_164 = arith.constant 16 : index
        %parallel_loop3A_165 = tpu.vector_load %arg7[%parallel_loop3A_163, %parallel_loop3A_164] {strides = array<i32>} : memref<200x64xf32, #tpu.memory_space<vmem>>, vector<1x16xf32>,
        %parallel_loop3A_166 = vector.shape_cast %parallel_loop3A_165 : vector<1x16xf32> to vector<16xf32>
        %parallel_loop3A_167 = arith.index_cast %parallel_loop3A_153 : i32 to index
        %parallel_loop3A_168 = arith.constant 16 : index
        %parallel_loop3A_169 = tpu.vector_load %arg10[%parallel_loop3A_167, %parallel_loop3A_168] {strides = array<i32>} : memref<200x64xf32, #tpu.memory_space<vmem>>, vector<1x16xf32>,
        %parallel_loop3A_170 = vector.shape_cast %parallel_loop3A_169 : vector<1x16xf32> to vector<16xf32>
        %parallel_loop3A_171 = vector.shape_cast %parallel_loop3A_166 : vector<16xf32> to vector<1x16xf32>
        tpu.vector_store %arg10[%parallel_loop3A_167, %parallel_loop3A_168], %parallel_loop3A_171 {add = true, strides = array<i32>} : memref<200x64xf32, #tpu.memory_space<vmem>>, vector<1x16xf32>,
        %parallel_loop3A_172 = arith.index_cast %parallel_loop3A_153 : i32 to index
        %parallel_loop3A_173 = arith.constant 32 : index
        %parallel_loop3A_174 = tpu.vector_load %arg7[%parallel_loop3A_172, %parallel_loop3A_173] {strides = array<i32>} : memref<200x64xf32, #tpu.memory_space<vmem>>, vector<1x16xf32>,
        %parallel_loop3A_175 = vector.shape_cast %parallel_loop3A_174 : vector<1x16xf32> to vector<16xf32>
        %parallel_loop3A_176 = arith.index_cast %parallel_loop3A_153 : i32 to index
        %parallel_loop3A_177 = arith.constant 32 : index
        %parallel_loop3A_178 = tpu.vector_load %arg10[%parallel_loop3A_176, %parallel_loop3A_177] {strides = array<i32>} : memref<200x64xf32, #tpu.memory_space<vmem>>, vector<1x16xf32>,
        %parallel_loop3A_179 = vector.shape_cast %parallel_loop3A_178 : vector<1x16xf32> to vector<16xf32>
        %parallel_loop3A_180 = vector.shape_cast %parallel_loop3A_175 : vector<16xf32> to vector<1x16xf32>
        tpu.vector_store %arg10[%parallel_loop3A_176, %parallel_loop3A_177], %parallel_loop3A_180 {add = true, strides = array<i32>} : memref<200x64xf32, #tpu.memory_space<vmem>>, vector<1x16xf32>,
        %parallel_loop3A_181 = arith.index_cast %parallel_loop3A_153 : i32 to index
        %parallel_loop3A_182 = arith.constant 48 : index
        %parallel_loop3A_183 = tpu.vector_load %arg7[%parallel_loop3A_181, %parallel_loop3A_182] {strides = array<i32>} : memref<200x64xf32, #tpu.memory_space<vmem>>, vector<1x16xf32>,
        %parallel_loop3A_184 = vector.shape_cast %parallel_loop3A_183 : vector<1x16xf32> to vector<16xf32>
        %parallel_loop3A_185 = arith.index_cast %parallel_loop3A_153 : i32 to index
        %parallel_loop3A_186 = arith.constant 48 : index
        %parallel_loop3A_187 = tpu.vector_load %arg10[%parallel_loop3A_185, %parallel_loop3A_186] {strides = array<i32>} : memref<200x64xf32, #tpu.memory_space<vmem>>, vector<1x16xf32>,
        %parallel_loop3A_188 = vector.shape_cast %parallel_loop3A_187 : vector<1x16xf32> to vector<16xf32>
        %parallel_loop3A_189 = vector.shape_cast %parallel_loop3A_184 : vector<16xf32> to vector<1x16xf32>
        tpu.vector_store %arg10[%parallel_loop3A_185, %parallel_loop3A_186], %parallel_loop3A_189 {add = true, strides = array<i32>} : memref<200x64xf32, #tpu.memory_space<vmem>>, vector<1x16xf32>,
      } {sc.loop_unroll_factor = 8 : i64, sc.parallel_access}
      %mul3A_114 = arith.constant 200 : i32
      %mul3A_115 = arith.muli %add3A_92, %mul3A_114 : i32
      %add3A_116 = arith.addi %mul3A_2, %mul3A_115 : i32
      %dma_start3A_117 = arith.constant 0 : i32
      %dma_start3A_118 = tpu.memref_slice %arg5[%add3A_116, %dma_start3A_117] : memref<204800x64xf32, #tpu.memory_space<hbm>> -> memref<200x64xf32, #tpu.memory_space<hbm>>
      %dma_start3A_119 = arith.constant 0 : i32
      %dma_start3A_120 = tpu.memref_slice %arg5[%add3A_116, %dma_start3A_119] : memref<204800x64xf32, #tpu.memory_space<hbm>> -> memref<200x64xf32, #tpu.memory_space<hbm>>
      tpu.enqueue_dma source(%arg10 : memref<200x64xf32, #tpu.memory_space<vmem>>) target(%dma_start3A_120 : memref<200x64xf32, #tpu.memory_space<hbm>>) target_semaphore(%arg18 : memref<!tpu.dma_semaphore, #tpu.memory_space<semaphore_mem>>)
      %mul3A_121 = arith.constant 4 : i32
      %mul3A_122 = arith.muli %scan3A_29, %mul3A_121 : i32
      %add3A_123 = arith.constant 3 : i32
      %add3A_124 = arith.addi %mul3A_122, %add3A_123 : i32
      %ge3A_125 = arith.constant 3 : i32
      %ge3A_126 = arith.cmpi sge, %add3A_124, %ge3A_125 : i32
      %convert_element_type3A_127 = arith.extui %ge3A_126 : i1 to i32
      %cond3A_128 = arith.constant 0 : i32
      %cond3A_129 = arith.cmpi ne, %convert_element_type3A_127, %cond3A_128 : i32
      scf.if %cond3A_129 {
        %sub3A = arith.constant 3 : i32
        %sub3A_153 = arith.subi %add3A_124, %sub3A : i32
        %mul3A_154 = arith.constant 200 : i32
        %mul3A_155 = arith.muli %sub3A_153, %mul3A_154 : i32
        %add3A_156 = arith.addi %mul3A_2, %mul3A_155 : i32
        %dma_wait3A_157 = arith.constant 0 : i32
        %dma_wait3A_158 = tpu.memref_slice %arg5[%add3A_156, %dma_wait3A_157] : memref<204800x64xf32, #tpu.memory_space<hbm>> -> memref<200x64xf32, #tpu.memory_space<hbm>>
        %dma_wait3A_159 = arith.constant 0 : i32
        %dma_wait3A_160 = tpu.memref_slice %arg5[%add3A_156, %dma_wait3A_159] : memref<204800x64xf32, #tpu.memory_space<hbm>> -> memref<200x64xf32, #tpu.memory_space<hbm>>
        tpu.wait_dma2 semaphore(%arg16 : memref<!tpu.dma_semaphore, #tpu.memory_space<semaphore_mem>>) src(%arg8 : memref<200x64xf32, #tpu.memory_space<vmem>>) dst(%dma_wait3A_160 : memref<200x64xf32, #tpu.memory_space<hbm>>)
      } else {
      }
      %add3A_130 = arith.constant 1 : i32
      %add3A_131 = arith.addi %add3A_124, %add3A_130 : i32
      %lt3A_132 = arith.constant 32 : i32
      %lt3A_133 = arith.cmpi slt, %add3A_131, %lt3A_132 : i32
      %convert_element_type3A_134 = arith.extui %lt3A_133 : i1 to i32
      %cond3A_135 = arith.constant 0 : i32
      %cond3A_136 = arith.cmpi ne, %convert_element_type3A_134, %cond3A_135 : i32
      scf.if %cond3A_136 {
        %add3A_153 = arith.constant 1 : i32
        %add3A_154 = arith.addi %add3A_124, %add3A_153 : i32
        %mul3A_155 = arith.constant 200 : i32
        %mul3A_156 = arith.muli %add3A_154, %mul3A_155 : i32
        %dma_start3A_157 = tpu.memref_slice %arg6[%mul3A_156] : memref<6400xi32, #tpu.memory_space<vmem>> -> memref<200xi32, #tpu.memory_space<vmem>>
        %dma_start3A_158 = arith.constant 0 : i32
        %dma_start3A_159 = arith.constant 0 : i32
        %dma_start3A_160 = tpu.memref_slice %arg3[%dma_start3A_158, %dma_start3A_159] : memref<1000000x64xf32, #tpu.memory_space<hbm>> -> memref<1000000x64xf32, #tpu.memory_space<hbm>>
        tpu.enqueue_indirect_dma source(%dma_start3A_160 : memref<1000000x64xf32, #tpu.memory_space<hbm>>) target(%arg8 : memref<200x64xf32, #tpu.memory_space<vmem>>) offsets(%dma_start3A_157 : memref<200xi32, #tpu.memory_space<vmem>>) semaphore(%arg12 : memref<!tpu.dma_semaphore, #tpu.memory_space<semaphore_mem>>)
      } else {
      }
      %mul3A_137 = arith.constant 200 : i32
      %mul3A_138 = arith.muli %add3A_124, %mul3A_137 : i32
      %dma_wait3A_139 = tpu.memref_slice %arg6[%mul3A_138] : memref<6400xi32, #tpu.memory_space<vmem>> -> memref<200xi32, #tpu.memory_space<vmem>>
      %dma_wait3A_140 = arith.constant 0 : i32
      %dma_wait3A_141 = arith.constant 0 : i32
      %dma_wait3A_142 = tpu.memref_slice %arg3[%dma_wait3A_140, %dma_wait3A_141] : memref<1000000x64xf32, #tpu.memory_space<hbm>> -> memref<1000000x64xf32, #tpu.memory_space<hbm>>
      tpu.wait_indirect_dma semaphore(%arg15 : memref<!tpu.dma_semaphore, #tpu.memory_space<semaphore_mem>>) src(%dma_wait3A_142 : memref<1000000x64xf32, #tpu.memory_space<hbm>>) dst(%arg11 : memref<200x64xf32, #tpu.memory_space<vmem>>)
      %parallel_loop3A_143 = arith.constant 0 : i32
      %parallel_loop3A_144 = arith.constant 200 : i32
      %parallel_loop3A_145 = arith.constant 1 : i32
      scf.for %parallel_loop3A_153 = %parallel_loop3A_143 to %parallel_loop3A_144 step %parallel_loop3A_145  : i32 {
        %parallel_loop3A_154 = arith.index_cast %parallel_loop3A_153 : i32 to index
        %parallel_loop3A_155 = arith.constant 0 : index
        %parallel_loop3A_156 = tpu.vector_load %arg7[%parallel_loop3A_154, %parallel_loop3A_155] {strides = array<i32>} : memref<200x64xf32, #tpu.memory_space<vmem>>, vector<1x16xf32>,
        %parallel_loop3A_157 = vector.shape_cast %parallel_loop3A_156 : vector<1x16xf32> to vector<16xf32>
        %parallel_loop3A_158 = arith.index_cast %parallel_loop3A_153 : i32 to index
        %parallel_loop3A_159 = arith.constant 0 : index
        %parallel_loop3A_160 = tpu.vector_load %arg11[%parallel_loop3A_158, %parallel_loop3A_159] {strides = array<i32>} : memref<200x64xf32, #tpu.memory_space<vmem>>, vector<1x16xf32>,
        %parallel_loop3A_161 = vector.shape_cast %parallel_loop3A_160 : vector<1x16xf32> to vector<16xf32>
        %parallel_loop3A_162 = vector.shape_cast %parallel_loop3A_157 : vector<16xf32> to vector<1x16xf32>
        tpu.vector_store %arg11[%parallel_loop3A_158, %parallel_loop3A_159], %parallel_loop3A_162 {add = true, strides = array<i32>} : memref<200x64xf32, #tpu.memory_space<vmem>>, vector<1x16xf32>,
        %parallel_loop3A_163 = arith.index_cast %parallel_loop3A_153 : i32 to index
        %parallel_loop3A_164 = arith.constant 16 : index
        %parallel_loop3A_165 = tpu.vector_load %arg7[%parallel_loop3A_163, %parallel_loop3A_164] {strides = array<i32>} : memref<200x64xf32, #tpu.memory_space<vmem>>, vector<1x16xf32>,
        %parallel_loop3A_166 = vector.shape_cast %parallel_loop3A_165 : vector<1x16xf32> to vector<16xf32>
        %parallel_loop3A_167 = arith.index_cast %parallel_loop3A_153 : i32 to index
        %parallel_loop3A_168 = arith.constant 16 : index
        %parallel_loop3A_169 = tpu.vector_load %arg11[%parallel_loop3A_167, %parallel_loop3A_168] {strides = array<i32>} : memref<200x64xf32, #tpu.memory_space<vmem>>, vector<1x16xf32>,
        %parallel_loop3A_170 = vector.shape_cast %parallel_loop3A_169 : vector<1x16xf32> to vector<16xf32>
        %parallel_loop3A_171 = vector.shape_cast %parallel_loop3A_166 : vector<16xf32> to vector<1x16xf32>
        tpu.vector_store %arg11[%parallel_loop3A_167, %parallel_loop3A_168], %parallel_loop3A_171 {add = true, strides = array<i32>} : memref<200x64xf32, #tpu.memory_space<vmem>>, vector<1x16xf32>,
        %parallel_loop3A_172 = arith.index_cast %parallel_loop3A_153 : i32 to index
        %parallel_loop3A_173 = arith.constant 32 : index
        %parallel_loop3A_174 = tpu.vector_load %arg7[%parallel_loop3A_172, %parallel_loop3A_173] {strides = array<i32>} : memref<200x64xf32, #tpu.memory_space<vmem>>, vector<1x16xf32>,
        %parallel_loop3A_175 = vector.shape_cast %parallel_loop3A_174 : vector<1x16xf32> to vector<16xf32>
        %parallel_loop3A_176 = arith.index_cast %parallel_loop3A_153 : i32 to index
        %parallel_loop3A_177 = arith.constant 32 : index
        %parallel_loop3A_178 = tpu.vector_load %arg11[%parallel_loop3A_176, %parallel_loop3A_177] {strides = array<i32>} : memref<200x64xf32, #tpu.memory_space<vmem>>, vector<1x16xf32>,
        %parallel_loop3A_179 = vector.shape_cast %parallel_loop3A_178 : vector<1x16xf32> to vector<16xf32>
        %parallel_loop3A_180 = vector.shape_cast %parallel_loop3A_175 : vector<16xf32> to vector<1x16xf32>
        tpu.vector_store %arg11[%parallel_loop3A_176, %parallel_loop3A_177], %parallel_loop3A_180 {add = true, strides = array<i32>} : memref<200x64xf32, #tpu.memory_space<vmem>>, vector<1x16xf32>,
        %parallel_loop3A_181 = arith.index_cast %parallel_loop3A_153 : i32 to index
        %parallel_loop3A_182 = arith.constant 48 : index
        %parallel_loop3A_183 = tpu.vector_load %arg7[%parallel_loop3A_181, %parallel_loop3A_182] {strides = array<i32>} : memref<200x64xf32, #tpu.memory_space<vmem>>, vector<1x16xf32>,
        %parallel_loop3A_184 = vector.shape_cast %parallel_loop3A_183 : vector<1x16xf32> to vector<16xf32>
        %parallel_loop3A_185 = arith.index_cast %parallel_loop3A_153 : i32 to index
        %parallel_loop3A_186 = arith.constant 48 : index
        %parallel_loop3A_187 = tpu.vector_load %arg11[%parallel_loop3A_185, %parallel_loop3A_186] {strides = array<i32>} : memref<200x64xf32, #tpu.memory_space<vmem>>, vector<1x16xf32>,
        %parallel_loop3A_188 = vector.shape_cast %parallel_loop3A_187 : vector<1x16xf32> to vector<16xf32>
        %parallel_loop3A_189 = vector.shape_cast %parallel_loop3A_184 : vector<16xf32> to vector<1x16xf32>
        tpu.vector_store %arg11[%parallel_loop3A_185, %parallel_loop3A_186], %parallel_loop3A_189 {add = true, strides = array<i32>} : memref<200x64xf32, #tpu.memory_space<vmem>>, vector<1x16xf32>,
      } {sc.loop_unroll_factor = 8 : i64, sc.parallel_access}
      %mul3A_146 = arith.constant 200 : i32
      %mul3A_147 = arith.muli %add3A_124, %mul3A_146 : i32
      %add3A_148 = arith.addi %mul3A_2, %mul3A_147 : i32
      %dma_start3A_149 = arith.constant 0 : i32
      %dma_start3A_150 = tpu.memref_slice %arg5[%add3A_148, %dma_start3A_149] : memref<204800x64xf32, #tpu.memory_space<hbm>> -> memref<200x64xf32, #tpu.memory_space<hbm>>
      %dma_start3A_151 = arith.constant 0 : i32
      %dma_start3A_152 = tpu.memref_slice %arg5[%add3A_148, %dma_start3A_151] : memref<204800x64xf32, #tpu.memory_space<hbm>> -> memref<200x64xf32, #tpu.memory_space<hbm>>
      tpu.enqueue_dma source(%arg11 : memref<200x64xf32, #tpu.memory_space<vmem>>) target(%dma_start3A_152 : memref<200x64xf32, #tpu.memory_space<hbm>>) target_semaphore(%arg19 : memref<!tpu.dma_semaphore, #tpu.memory_space<semaphore_mem>>)
    }
    %scan3A_11 = arith.constant 8 : i32
    %add3A_12 = arith.constant 5800 : i32
    %add3A_13 = arith.addi %mul3A_2, %add3A_12 : i32
    %dma_wait3A = arith.constant 0 : i32
    %dma_wait3A_14 = tpu.memref_slice %arg5[%add3A_13, %dma_wait3A] : memref<204800x64xf32, #tpu.memory_space<hbm>> -> memref<200x64xf32, #tpu.memory_space<hbm>>
    %dma_wait3A_15 = arith.constant 0 : i32
    %dma_wait3A_16 = tpu.memref_slice %arg5[%add3A_13, %dma_wait3A_15] : memref<204800x64xf32, #tpu.memory_space<hbm>> -> memref<200x64xf32, #tpu.memory_space<hbm>>
    tpu.wait_dma2 semaphore(%arg17 : memref<!tpu.dma_semaphore, #tpu.memory_space<semaphore_mem>>) src(%arg9 : memref<200x64xf32, #tpu.memory_space<vmem>>) dst(%dma_wait3A_16 : memref<200x64xf32, #tpu.memory_space<hbm>>)
    %add3A_17 = arith.constant 6000 : i32
    %add3A_18 = arith.addi %mul3A_2, %add3A_17 : i32
    %dma_wait3A_19 = arith.constant 0 : i32
    %dma_wait3A_20 = tpu.memref_slice %arg5[%add3A_18, %dma_wait3A_19] : memref<204800x64xf32, #tpu.memory_space<hbm>> -> memref<200x64xf32, #tpu.memory_space<hbm>>
    %dma_wait3A_21 = arith.constant 0 : i32
    %dma_wait3A_22 = tpu.memref_slice %arg5[%add3A_18, %dma_wait3A_21] : memref<204800x64xf32, #tpu.memory_space<hbm>> -> memref<200x64xf32, #tpu.memory_space<hbm>>
    tpu.wait_dma2 semaphore(%arg18 : memref<!tpu.dma_semaphore, #tpu.memory_space<semaphore_mem>>) src(%arg10 : memref<200x64xf32, #tpu.memory_space<vmem>>) dst(%dma_wait3A_22 : memref<200x64xf32, #tpu.memory_space<hbm>>)
    %add3A_23 = arith.constant 6200 : i32
    %add3A_24 = arith.addi %mul3A_2, %add3A_23 : i32
    %dma_wait3A_25 = arith.constant 0 : i32
    %dma_wait3A_26 = tpu.memref_slice %arg5[%add3A_24, %dma_wait3A_25] : memref<204800x64xf32, #tpu.memory_space<hbm>> -> memref<200x64xf32, #tpu.memory_space<hbm>>
    %dma_wait3A_27 = arith.constant 0 : i32
    %dma_wait3A_28 = tpu.memref_slice %arg5[%add3A_24, %dma_wait3A_27] : memref<204800x64xf32, #tpu.memory_space<hbm>> -> memref<200x64xf32, #tpu.memory_space<hbm>>
    tpu.wait_dma2 semaphore(%arg19 : memref<!tpu.dma_semaphore, #tpu.memory_space<semaphore_mem>>) src(%arg11 : memref<200x64xf32, #tpu.memory_space<vmem>>) dst(%dma_wait3A_28 : memref<200x64xf32, #tpu.memory_space<hbm>>)
    return
  }
}

</mosaic_0001>

<sc_bundles>
// kernel: kernel.3.cloned.1.call-start
scs
__scs_entry_jumppad:
0x0: {  	(pc) =	sbr.rel $0x88, $3  }
0x1: {  	(tag) =	ssettag $0x0;
	lr =	simm.s32 $0x1  }
0x2: {  	[smem:$0x3F9E] =	sst lr;
	_ =	strace $0xD0000000  }
0x3: {  	_ = 	snop  }
0x4: {  	_ = 	snop  }
0x5: {  	_ = 	snop  }
0x6: {  	_ = 	snop  }
0x7: {  	_ = 	snop  }
__scs_overlays_trampoline_lowered:
0x8: {  	[smem:$0x3FAD] =	sst s0  }
0x9: {  	[smem:$0x3FAE] =	sst s1  }
0xa: {  	[smem:$0x3FAF] =	sst s2  }
0xb: {  	[smem:$0x3FB0] =	sst s3  }
0xc: {  	[smem:$0x3FB1] =	sst s4  }
0xd: {  	[smem:$0x3FB2] =	sst s5  }
0xe: {  	[smem:$0x3FB3] =	sst s6  }
0xf: {  	[smem:$0x3FB4] =	sst s7  }
0x10: {  	[smem:$0x3FB5] =	sst s8  }
0x11: {  	[smem:$0x3FB6] =	sst s9;
	s0 =	simm.s32 @!p0 $0x0  }
0x12: {  	s1 =	sld [smem:$0x3F9C];
	s0 =	simm.s32 @p0 $0x1  }
0x13: {  	[smem:$0x3FB7] =	sst s0;
	s0 =	simm.s32 @!p1 $0x0  }
0x14: {  	s2 =	sld [smem:$0x3F9B];
	s0 =	simm.s32 @p1 $0x1  }
0x15: {  	[smem:$0x3FB8] =	sst s0;
	s0 =	simm.s32 @!p2 $0x0  }
0x16: {  	s3 =	sld [smem:$0x3FDB];
	s0 =	simm.s32 @p2 $0x1  }
0x17: {  	s4 =	simm.s32 $0x1BF5;
	[smem:$0x3FBA] =	sst s0  }
0x18: {  	s0 =	sld [smem:$0x3F9D];
	_ =	swait.ge [sflag:s4], $0x0  }
0x19: {  	s7 =	sld [smem:$0x3F9E]  }
0x1a: {  	s8 =	sadd.s32 $0xFFFFE003, lr  }
0x1b: {  	s9 =	sadd.s32 $0xFFFFFEF7, lr;
	s5 =	simm.s32 $0xFFFFFFFF;
	p2 =	slt.u32 s8, $0xFFFFF086  }
0x1c: {  	p1 =	slt.u32 s9, $0xF7A;
	s5 =	simm.s32 @!p2 $0x0  }
0x1d: {  	s5 =	simm.s32 @p1 $0x1;
	p0 =	seq.s32 s7, s2  }
0x1e: {  	s7 =	smul.u32 @!p0 $0xF7A, s2;
	p2 =	seq.s32 @!p0 s5, $0x0  }
0x1f: {  	s9 =	smul.u32 $0xF7A, s1;
	s8 =	simm.s32 @!p0 $0x1BF5;
	p2 =	por !p2, p0  }
0x20: {  	[sflag:s8] =	ssyncset.s32 @!p0 $0xFFFFF086;
	s6 =	sadd.s32 @!p0 s3, s7;
	s7 =	simm.s32 @!p0 $0x108  }
0x21: {  	s3 =	sadd.s32 s3, s9;
	s6 =	sadd.s32 @!p0 $0x88, s6;
	s7 =	simm.s32 @p2 $0x1082  }
0x22: {  	[simem:s7], [sflag:s8] =	dma.local @!p0 [hbm:s6], $0xF7A  }
0x23: {  	s9 =	sor.u32 $0xD0000000, s2;
	s6 =	simm.s32 $0x108;
	_ =	swait.ge @!p0 [sflag:s8], $0x0  }
0x24: {  	s3 =	sadd.s32 $0x88, s3;
	s6 =	simm.s32 @!p1 $0x1082;
	[sflag:s4] =	ssyncset.s32 $0xFFFFF086  }
0x25: {  	[simem:s6], [sflag:s4] =	dma.local [hbm:s3], $0xF7A  }
0x26: {  	[smem:$0x3F9E] =	sst s1;
	(tag) =	ssettag s2;
	_ =	strace s9  }
0x27: {  	s1 =	sld [smem:$0x3FAE]  }
0x28: {  	s2 =	sld [smem:$0x3FAF]  }
0x29: {  	s4 =	sld [smem:$0x3FB1]  }
0x2a: {  	p0 =	seq.s32 s5, $0x0;
	s5 =	sld [smem:$0x3FB2]  }
0x2b: {  	s6 =	sld [smem:$0x3FB3]  }
0x2c: {  	s7 =	sld [smem:$0x3FB4]  }
0x2d: {  	s3 =	simm.s32 $0x108;
	s8 =	sld [smem:$0x3FB5]  }
0x2e: {  	s3 =	simm.s32 @!p0 $0x1082;
	s9 =	sld [smem:$0x3FB6]  }
0x2f: {  	lr =	sadd.s32 s0, s3;
	s0 =	sld [smem:$0x3FAD]  }
0x30: {  	s3 =	sld [smem:$0x3FB0]  }
0x31: {  	[smem:$0x3FB9] =	sst s10  }
0x32: {  	s10 =	sld [smem:$0x3FB7];
	_ =	sdelay $0x3  }
0x33: {  	p0 =	seq.s32 s10, $0x1;
	s10 =	sld [smem:$0x3FB9];
	_ =	sdelay $0x3  }
0x34: {  	[smem:$0x3FB9] =	sst s10  }
0x35: {  	s10 =	sld [smem:$0x3FB8];
	_ =	sdelay $0x3  }
0x36: {  	p1 =	seq.s32 s10, $0x1;
	s10 =	sld [smem:$0x3FB9];
	_ =	sdelay $0x3  }
0x37: {  	[smem:$0x3FB9] =	sst s10  }
0x38: {  	s10 =	sld [smem:$0x3FBA]  }
0x39: {  	_ = 	snop;
	(pc) =	sbr.ind lr, $3  }
0x3a: {  	_ = 	snop  }
0x3b: {  	_ = 	snop  }
0x3c: {  	p2 =	seq.s32 s10, $0x1;
	s10 =	sld [smem:$0x3FB9]  }
0x3d: {  	_ =	shalt  }
0x3e: {  	_ =	shalt  }
0x3f: {  	_ =	shalt  }
0x40: {  	_ =	shalt  }
0x41: {  	_ =	shalt  }
0x42: {  	_ =	shalt  }
0x43: {  	_ =	shalt  }
0x44: {  	_ =	shalt  }
0x45: {  	_ =	shalt  }
0x46: {  	_ =	shalt  }
0x47: {  	_ =	shalt  }
0x48: {  	_ =	shalt  }
0x49: {  	_ =	shalt  }
0x4a: {  	_ =	shalt  }
0x4b: {  	_ =	shalt  }
0x4c: {  	_ =	shalt  }
0x4d: {  	_ =	shalt  }
0x4e: {  	_ =	shalt  }
0x4f: {  	_ =	shalt  }
0x50: {  	_ =	shalt  }
0x51: {  	_ =	shalt  }
0x52: {  	_ =	shalt  }
0x53: {  	_ =	shalt  }
0x54: {  	_ =	shalt  }
0x55: {  	_ =	shalt  }
0x56: {  	_ =	shalt  }
0x57: {  	_ =	shalt  }
0x58: {  	_ =	shalt  }
0x59: {  	_ =	shalt  }
0x5a: {  	_ =	shalt  }
0x5b: {  	_ =	shalt  }
0x5c: {  	_ =	shalt  }
0x5d: {  	_ =	shalt  }
0x5e: {  	_ =	shalt  }
0x5f: {  	_ =	shalt  }
0x60: {  	_ =	shalt  }
0x61: {  	_ =	shalt  }
0x62: {  	_ =	shalt  }
0x63: {  	_ =	shalt  }
0x64: {  	_ =	shalt  }
0x65: {  	_ =	shalt  }
0x66: {  	_ =	shalt  }
0x67: {  	_ =	shalt  }
0x68: {  	_ =	shalt  }
0x69: {  	_ =	shalt  }
0x6a: {  	_ =	shalt  }
0x6b: {  	_ =	shalt  }
0x6c: {  	_ =	shalt  }
0x6d: {  	_ =	shalt  }
0x6e: {  	_ =	shalt  }
0x6f: {  	_ =	shalt  }
0x70: {  	_ =	shalt  }
0x71: {  	_ =	shalt  }
0x72: {  	_ =	shalt  }
0x73: {  	_ =	shalt  }
0x74: {  	_ =	shalt  }
0x75: {  	_ =	shalt  }
0x76: {  	_ =	shalt  }
0x77: {  	_ =	shalt  }
0x78: {  	_ =	shalt  }
0x79: {  	_ =	shalt  }
0x7a: {  	_ =	shalt  }
0x7b: {  	_ =	shalt  }
0x7c: {  	_ =	shalt  }
0x7d: {  	_ =	shalt  }
0x7e: {  	_ =	shalt  }
0x7f: {  	_ =	shalt  }
0x80: {  	_ =	shalt  }
0x81: {  	_ =	shalt  }
0x82: {  	_ =	shalt  }
0x83: {  	_ =	shalt  }
0x84: {  	_ =	shalt  }
0x85: {  	_ =	shalt  }
0x86: {  	_ =	shalt  }
0x87: {  	_ =	shalt  }
.Lfunc_end0:
.L_simem_size_0:
called_computation.1_lowered:
.L_overlay_start_0:
0x88: {  	s2 =	sld [smem:$0x3FD9]  }
0x89: {  	s3 =	sld [smem:$0x3FFE];
	_ =	sdelay $0x1  }
0x8a: {  	s1 =	srdreg.scid  }
0x8b: {  	s0 =	sand.u32 $0x1, s1  }
0x8c: {  	s17 =	sshll.u32 s0, $0xA;
	s2 =	sadd.s32 s3, s2  }
0x8d: {  	s2 =	sadd.s32 s2, s17  }
0x8e: {  	[smem:$0x3FC5] =	sst s2  }
0x8f: {  	_ = 	snop  }
0x90: {  	s2 =	sld [smem:$0x3FD0];
	(tm) =	ssettm $0x1  }
0x91: {  	s18 =	sld [smem:$0x3FFB];
	_ =	sdelay $0x3  }
0x92: {  	_ =	strace s18  }
0x93: {  	s3 =	sld [smem:$0x3FFC];
	_ =	sdelay $0x3  }
0x94: {  	_ =	strace s3  }
0x95: {  	s3 =	sld [smem:$0x3FFD];
	_ =	sdelay $0x3  }
0x96: {  	_ =	strace s3  }
0x97: {  	_ =	strace $0x8FFFFFFF  }
0x98: {  	s19 =	sld [smem:$0x3FDB];
	_ =	sdelay $0x1  }
0x99: {  	s4 =	simm.s32 $_scs_section_size  }
0x9a: {  	s5 =	simm.s32 $_size__tile_overlayer_lowered;
	s6 =	simm.s32 $_tile_overlayer_lowered  }
0x9b: {  	s22 =	simm.s32 $0x1BFF;
	s21 =	sshll.u32 s6, $0x1;
	s3 =	sadd.s32 s4, s19  }
0x9c: {  	s7 =	simm.s32 $0x0;
	s20 =	sshll.u32 s5, $0x1;
	s5 =	sadd.s32 s21, s3  }
0x9d: {  	[timem:s7], [sflag:s22] =	dma.local [hbm:s5], s20  }
0x9e: {  	_ =	swait.ge [sflag:s22], s20  }
0x9f: {  	s4 =	ssub.s32 $0x0, s20;
	[sflag:s22] =	ssyncset.done $0x0  }
0xa0: {  	[sflag:s22] =	ssyncadd.s32 s4;
	_ =	sdelay $0x1  }
0xa1: {  	s23 =	simm.s32 $0x1B8B  }
0xa2: {  	_ =	swait.ge [sflag:s23], $0x1  }
0xa3: {  	[sflag:s23] =	ssyncset.done $0x0  }
0xa4: {  	s25 =	simm.s32 $0x1B8E;
	s24 =	sld [smem:$0x3FFE];
	[sflag:s23] =	ssyncadd.s32 $0xFFFFFFFF  }
0xa5: {  	s26 =	simm.s32 $execute0_lowered;
	[smem:$0x3FD2] =	sst s25  }
0xa6: {  	s5 =	sshll.u32 s26, $0x1;
	_ =	strace $0x80000046;
	[dreg:$0x1] =	wrdreg $0xFFFFFFFF  }
0xa7: {  	s28 =	simm.s32 $_size_execute0_lowered;
	s3 =	sadd.s32 s3, s5;
	[dreg:$0x0] =	wrdreg $0x0  }
0xa8: {  	s5 =	sshll.u32 s28, $0x1;
	[dreg:$0x2] =	wrdreg s3  }
0xa9: {  	[dreg:$0x3] =	wrdreg s5  }
0xaa: {  	[dreg:$0x4] =	wrdreg $0xC0  }
0xab: {  	_ =	task [dreg:s7], $0x5FFFF  }
0xac: {  	[dreg:$0x1] =	wrdreg $0xFFFFFFFF  }
0xad: {  	[dreg:$0x0] =	wrdreg $0x60  }
0xae: {  	[dreg:$0x2] =	wrdreg s24  }
0xaf: {  	[dreg:$0x3] =	wrdreg s2  }
0xb0: {  	[dreg:$0x4] =	wrdreg $0x9  }
0xb1: {  	_ =	task.clear_ibuf [dreg:s7], $0x5FFFF;
	_ =	strace $0x90000046  }
0xb2: {  	s29 =	simm.s32 $0x9;
	_ =	strace $0x80000048  }
0xb3: {  	_ =	swait.ge [sflag:s29], $0x1  }
0xb4: {  	[sflag:s29] =	ssyncadd.s32 $0xFFFFFFFF  }
0xb5: {  	_ =	strace $0x90000048  }
0xb6: {  	_ =	sfence  }
0xb7: {  	s30 =	sld [smem:$0x0];
	_ =	sdelay $0x2  }
0xb8: {  	s31 =	sshll.u32 s1, $0xD;
	s1 =	sshrl.u32 s1, $0x2  }
0xb9: {  	s3 =	sand.u32 $0x4000, s31;
	s1 =	sadd.s32 s1, s30  }
0xba: {  	s0 =	sor.u32 s3, s0;
	s1 =	sshll.u32 s1, $0x11  }
0xbb: {  	s0 =	sor.u32 s1, s0  }
0xbc: {  	s0 =	sadd.s32 $0x8F2B, s0  }
0xbd: {  	[sflag:s0] =	ssyncadd.remote.s32 $0x1  }
0xbe: {  	_ =	sfence.sel $0xFFFF  }
0xbf: {  	[dreg:$0x0] =	wrdreg $0xFFFFFFFF;
	(pc) =	sbr.abs _section_cstart, $3  }
0xc0: {  	[dreg:$0x1] =	wrdreg $0xFFFFFFFF  }
0xc1: {  	_ =	task.clear_ibuf [dreg:s7], $0x2FFFF;
	_ =	strace $0x9FFFFFFF  }
0xc2: {  	(tm) =	ssettm $0x7FFFFFFF  }
0xc3: {  	_ =	shalt  }
tec
execute0_lowered:
.L_overlay_start_1:
0x0: {  	(tag) =	ssettag $0x1  }
0x1: {  	s1 =	srdreg.scid  }
0x2: {  	s0 =	stileid.u32;
	s6 =	rddreg [dreg:$0x0]  }
0x3: {  	s4 =	simm.s32 $0x0;
	s9 =	simm.s32 $0x9;
	s10 =	simm.s32 $0x1900  }
0x4: {  	s11 =	simm.s32 $0xC8;
	s12 =	simm.s32 $0x4B00;
	s13 =	simm.s32 $0x7D00  }
0x5: {  	s14 =	simm.s32 $0x1;
	s15 =	simm.s32 $0xAF00;
	s16 =	simm.s32 $0x2  }
0x6: {  	s17 =	simm.s32 $0xE100;
	s18 =	simm.s32 $0x3;
	s19 =	simm.s32 $0x5  }
0x7: {  	s20 =	simm.s32 $0x4;
	s1 =	sand.u32 $0x1, s1;
	s2 =	sshll.u32 s0, $0x1  }
0x8: {  	s21 =	simm.s32 $0x6;
	s22 =	simm.s32 $0x7;
	s3 =	sor.u32 s1, s2  }
0x9: {  	s23 =	simm.s32 $0x8;
	s1 =	ssub.s32 $0x2, s1;
	s3 =	smul.u32 $0x1900, s3  }
0xa: {  	s24 =	simm.s32 $0x0;
	[smem:$0x7FF] =	sst s4;
	s8 =	sshrl.u32 s1, $0x1  }
0xb: {  	s2 =	rddreg [dreg:$0x1];
	s1 =	ssub.s32 s1, s8;
	s5 =	sshrl.u32 s3, $0x3  }
0xc: {  	_ =	strace $0x80000047;
	s8 =	smax.u32 s1, $0x1;
	s7 =	sadd.s32 s5, s6  }
0xd: {  	s5 =	sadd.s32 $0xF43000, s6;
	s6 =	sadd.s32 $0x7000, s6;
	s7 =	sadd.s32 $0xC00, s7  }
.LBB2_1:
0xe: {  	[tilespmem:s4], [sflag:$0x9] =	stream.linear.gather [hbm4b:s7+s4], $0x1900, $0x38;
	[tilespmem:$0x11300] =	vst v63  }
0xf: {  	_ =	swait.ge [sflag:s9], $0x1900  }
0x10: {  	[sflag:s9] =	ssyncset.done $0x0  }
0x11: {  	[sflag:s9] =	ssyncadd.s32 $0xFFFFE700  }
0x12: {  	[tilespmem:s10], [sflag:$0x9] =	stream.linear.gather [hbm4b:s6+s4], $0x3200, $0x38;
	[tilespmem:$0x11300] =	vst v63  }
0x13: {  	_ =	swait.ge [sflag:s9], $0x3200  }
0x14: {  	[sflag:s9] =	ssyncset.done $0x0  }
0x15: {  	s25 =	simm.s32 $0x0;
	[sflag:s9] =	ssyncadd.s32 $0xFFFFCE00  }
0x16: {  	[tilespmem:s12], [sflag:$0x1] =	stream.indirect.gather [hbm4b:s5+s11], $0x40, s4, s11, $0xb8;
	[tilespmem:$0x11300] =	vst v63  }
.LBB2_2:
0x17: {  	s26 =	sshll.u32 s25, $0x2;
	p0 =	seq.s32 s25, $0x0  }
0x18: {  	s1 =	simm.s32 @!p0 $0x6;
	s29 =	sor.u32 $0x1, s26  }
0x19: {  	_ =	swait.ge @!p0 [sflag:s1], $0x3200;
	s28 =	smul.u32 $0x320, s29  }
0x1a: {  	[sflag:s1] =	ssyncset.done @!p0 $0x0  }
0x1b: {  	[sflag:s1] =	ssyncadd.s32 @!p0 $0xFFFFCE00;
	s1 =	sshra.s32 s28, $0x2  }
0x1c: {  	[tilespmem:s13], [sflag:$0x2] =	stream.indirect.gather [hbm4b:s5+s11], $0x40, s1, s11, $0xb8;
	[tilespmem:$0x11300] =	vst v63  }
0x1d: {  	_ =	swait.ge [sflag:s14], $0x3200  }
0x1e: {  	[sflag:s14] =	ssyncset.done $0x0  }
0x1f: {  	s28 =	simm.s32 $0x0;
	[sflag:s14] =	ssyncadd.s32 $0xFFFFCE00  }
0x20: {  	v0 =	vld [tilespmem:s28+$0x1AF0]  }
0x21: {  	v1 =	vld [tilespmem:s28+$0x1900]  }
0x22: {  	v2 =	vld [tilespmem:s28+$0x1910]  }
0x23: {  	v3 =	vld [tilespmem:s28+$0x1920]  }
0x24: {  	v4 =	vld [tilespmem:s28+$0x1930]  }
0x25: {  	v5 =	vld [tilespmem:s28+$0x1940]  }
0x26: {  	v6 =	vld [tilespmem:s28+$0x1950]  }
0x27: {  	v7 =	vld [tilespmem:s28+$0x1960]  }
0x28: {  	v8 =	vld [tilespmem:s28+$0x1970]  }
0x29: {  	v9 =	vld [tilespmem:s28+$0x1980]  }
0x2a: {  	v10 =	vld [tilespmem:s28+$0x1990]  }
0x2b: {  	v11 =	vld [tilespmem:s28+$0x19A0]  }
0x2c: {  	v12 =	vld [tilespmem:s28+$0x19B0]  }
0x2d: {  	v13 =	vld [tilespmem:s28+$0x19C0]  }
0x2e: {  	v14 =	vld [tilespmem:s28+$0x19D0]  }
0x2f: {  	v15 =	vld [tilespmem:s28+$0x19E0]  }
0x30: {  	v16 =	vld [tilespmem:s28+$0x19F0]  }
0x31: {  	v17 =	vld [tilespmem:s28+$0x1A00]  }
0x32: {  	v18 =	vld [tilespmem:s28+$0x1A10]  }
0x33: {  	v19 =	vld [tilespmem:s28+$0x1A20]  }
0x34: {  	v20 =	vld [tilespmem:s28+$0x1A30]  }
0x35: {  	v21 =	vld [tilespmem:s28+$0x1A40]  }
0x36: {  	v22 =	vld [tilespmem:s28+$0x1A50]  }
0x37: {  	v23 =	vld [tilespmem:s28+$0x1A60]  }
0x38: {  	v24 =	vld [tilespmem:s28+$0x1A70]  }
0x39: {  	v25 =	vld [tilespmem:s28+$0x1A80]  }
0x3a: {  	v26 =	vld [tilespmem:s28+$0x1A90]  }
0x3b: {  	v27 =	vld [tilespmem:s28+$0x1AA0]  }
0x3c: {  	v28 =	vld [tilespmem:s28+$0x1AB0]  }
0x3d: {  	v29 =	vld [tilespmem:s28+$0x1AC0]  }
0x3e: {  	v30 =	vld [tilespmem:s28+$0x1AD0]  }
0x3f: {  	[tilespmem:s28+$0x4CF0] =	vst.add.f32.msk $0xffff, v0  }
0x40: {  	v0 =	vld [tilespmem:s28+$0x1AE0]  }
0x41: {  	[tilespmem:s28+$0x4B00] =	vst.add.f32.msk $0xffff, v1  }
0x42: {  	[tilespmem:s28+$0x4B10] =	vst.add.f32.msk $0xffff, v2  }
0x43: {  	[tilespmem:s28+$0x4B20] =	vst.add.f32.msk $0xffff, v3  }
0x44: {  	[tilespmem:s28+$0x4B30] =	vst.add.f32.msk $0xffff, v4  }
0x45: {  	[tilespmem:s28+$0x4B40] =	vst.add.f32.msk $0xffff, v5  }
0x46: {  	[tilespmem:s28+$0x4B50] =	vst.add.f32.msk $0xffff, v6  }
0x47: {  	[tilespmem:s28+$0x4B60] =	vst.add.f32.msk $0xffff, v7  }
0x48: {  	[tilespmem:s28+$0x4B70] =	vst.add.f32.msk $0xffff, v8  }
0x49: {  	[tilespmem:s28+$0x4B80] =	vst.add.f32.msk $0xffff, v9  }
0x4a: {  	[tilespmem:s28+$0x4B90] =	vst.add.f32.msk $0xffff, v10  }
0x4b: {  	[tilespmem:s28+$0x4BA0] =	vst.add.f32.msk $0xffff, v11  }
0x4c: {  	[tilespmem:s28+$0x4BB0] =	vst.add.f32.msk $0xffff, v12  }
0x4d: {  	[tilespmem:s28+$0x4BC0] =	vst.add.f32.msk $0xffff, v13  }
0x4e: {  	[tilespmem:s28+$0x4BD0] =	vst.add.f32.msk $0xffff, v14  }
0x4f: {  	[tilespmem:s28+$0x4BE0] =	vst.add.f32.msk $0xffff, v15  }
0x50: {  	[tilespmem:s28+$0x4BF0] =	vst.add.f32.msk $0xffff, v16  }
0x51: {  	[tilespmem:s28+$0x4C00] =	vst.add.f32.msk $0xffff, v17  }
0x52: {  	[tilespmem:s28+$0x4C10] =	vst.add.f32.msk $0xffff, v18  }
0x53: {  	[tilespmem:s28+$0x4C20] =	vst.add.f32.msk $0xffff, v19  }
0x54: {  	[tilespmem:s28+$0x4C30] =	vst.add.f32.msk $0xffff, v20  }
0x55: {  	[tilespmem:s28+$0x4C40] =	vst.add.f32.msk $0xffff, v21  }
0x56: {  	[tilespmem:s28+$0x4C50] =	vst.add.f32.msk $0xffff, v22  }
0x57: {  	[tilespmem:s28+$0x4C60] =	vst.add.f32.msk $0xffff, v23  }
0x58: {  	[tilespmem:s28+$0x4C70] =	vst.add.f32.msk $0xffff, v24  }
0x59: {  	[tilespmem:s28+$0x4C80] =	vst.add.f32.msk $0xffff, v25  }
0x5a: {  	[tilespmem:s28+$0x4C90] =	vst.add.f32.msk $0xffff, v26  }
0x5b: {  	[tilespmem:s28+$0x4CA0] =	vst.add.f32.msk $0xffff, v27  }
0x5c: {  	[tilespmem:s28+$0x4CB0] =	vst.add.f32.msk $0xffff, v28  }
0x5d: {  	[tilespmem:s28+$0x4CC0] =	vst.add.f32.msk $0xffff, v29  }
0x5e: {  	s30 =	simm.s32 $0x0;
	s31 =	simm.s32 $0x800;
	[tilespmem:s28+$0x4CD0] =	vst.add.f32.msk $0xffff, v30  }
.LBB2_3:
0x5f: {  	s30 =	sadd.s32 $0x8, s30;
	[tilespmem:s28+$0x4CE0] =	vst.add.f32.msk $0xffff, v0;
	s28 =	sshra.s32 s31, $0x2  }
0x60: {  	v0 =	vld [tilespmem:s28+$0x1AF0];
	p1 =	slt.u32 s30, $0xC0  }
0x61: {  	v1 =	vld [tilespmem:s28+$0x1900]  }
0x62: {  	v2 =	vld [tilespmem:s28+$0x1910]  }
0x63: {  	v3 =	vld [tilespmem:s28+$0x1920]  }
0x64: {  	v4 =	vld [tilespmem:s28+$0x1930]  }
0x65: {  	[tilespmem:s28+$0x4CF0] =	vst.add.f32.msk $0xffff, v0  }
0x66: {  	v5 =	vld [tilespmem:s28+$0x1940]  }
0x67: {  	v6 =	vld [tilespmem:s28+$0x1950]  }
0x68: {  	v7 =	vld [tilespmem:s28+$0x1960]  }
0x69: {  	v8 =	vld [tilespmem:s28+$0x1970]  }
0x6a: {  	v9 =	vld [tilespmem:s28+$0x1980]  }
0x6b: {  	v10 =	vld [tilespmem:s28+$0x1990]  }
0x6c: {  	v11 =	vld [tilespmem:s28+$0x19A0]  }
0x6d: {  	v12 =	vld [tilespmem:s28+$0x19B0]  }
0x6e: {  	v13 =	vld [tilespmem:s28+$0x19C0]  }
0x6f: {  	v14 =	vld [tilespmem:s28+$0x19D0]  }
0x70: {  	v15 =	vld [tilespmem:s28+$0x19E0]  }
0x71: {  	v16 =	vld [tilespmem:s28+$0x19F0]  }
0x72: {  	v17 =	vld [tilespmem:s28+$0x1A00]  }
0x73: {  	v18 =	vld [tilespmem:s28+$0x1A10]  }
0x74: {  	v19 =	vld [tilespmem:s28+$0x1A20]  }
0x75: {  	v20 =	vld [tilespmem:s28+$0x1A30]  }
0x76: {  	v21 =	vld [tilespmem:s28+$0x1A40]  }
0x77: {  	v22 =	vld [tilespmem:s28+$0x1A50]  }
0x78: {  	v23 =	vld [tilespmem:s28+$0x1A60]  }
0x79: {  	v24 =	vld [tilespmem:s28+$0x1A70]  }
0x7a: {  	v25 =	vld [tilespmem:s28+$0x1A80]  }
0x7b: {  	v26 =	vld [tilespmem:s28+$0x1A90]  }
0x7c: {  	v27 =	vld [tilespmem:s28+$0x1AA0]  }
0x7d: {  	v28 =	vld [tilespmem:s28+$0x1AB0]  }
0x7e: {  	v29 =	vld [tilespmem:s28+$0x1AC0]  }
0x7f: {  	v30 =	vld [tilespmem:s28+$0x1AD0]  }
0x80: {  	v0 =	vld [tilespmem:s28+$0x1AE0]  }
0x81: {  	[tilespmem:s28+$0x4B00] =	vst.add.f32.msk $0xffff, v1  }
0x82: {  	[tilespmem:s28+$0x4B10] =	vst.add.f32.msk $0xffff, v2  }
0x83: {  	[tilespmem:s28+$0x4B20] =	vst.add.f32.msk $0xffff, v3  }
0x84: {  	[tilespmem:s28+$0x4B30] =	vst.add.f32.msk $0xffff, v4  }
0x85: {  	[tilespmem:s28+$0x4B40] =	vst.add.f32.msk $0xffff, v5  }
0x86: {  	[tilespmem:s28+$0x4B50] =	vst.add.f32.msk $0xffff, v6  }
0x87: {  	[tilespmem:s28+$0x4B60] =	vst.add.f32.msk $0xffff, v7  }
0x88: {  	[tilespmem:s28+$0x4B70] =	vst.add.f32.msk $0xffff, v8  }
0x89: {  	[tilespmem:s28+$0x4B80] =	vst.add.f32.msk $0xffff, v9  }
0x8a: {  	[tilespmem:s28+$0x4B90] =	vst.add.f32.msk $0xffff, v10  }
0x8b: {  	[tilespmem:s28+$0x4BA0] =	vst.add.f32.msk $0xffff, v11  }
0x8c: {  	[tilespmem:s28+$0x4BB0] =	vst.add.f32.msk $0xffff, v12  }
0x8d: {  	[tilespmem:s28+$0x4BC0] =	vst.add.f32.msk $0xffff, v13  }
0x8e: {  	[tilespmem:s28+$0x4BD0] =	vst.add.f32.msk $0xffff, v14  }
0x8f: {  	[tilespmem:s28+$0x4BE0] =	vst.add.f32.msk $0xffff, v15  }
0x90: {  	[tilespmem:s28+$0x4BF0] =	vst.add.f32.msk $0xffff, v16  }
0x91: {  	[tilespmem:s28+$0x4C00] =	vst.add.f32.msk $0xffff, v17  }
0x92: {  	[tilespmem:s28+$0x4C10] =	vst.add.f32.msk $0xffff, v18  }
0x93: {  	[tilespmem:s28+$0x4C20] =	vst.add.f32.msk $0xffff, v19  }
0x94: {  	[tilespmem:s28+$0x4C30] =	vst.add.f32.msk $0xffff, v20  }
0x95: {  	[tilespmem:s28+$0x4C40] =	vst.add.f32.msk $0xffff, v21  }
0x96: {  	[tilespmem:s28+$0x4C50] =	vst.add.f32.msk $0xffff, v22  }
0x97: {  	[tilespmem:s28+$0x4C60] =	vst.add.f32.msk $0xffff, v23  }
0x98: {  	[tilespmem:s28+$0x4C70] =	vst.add.f32.msk $0xffff, v24  }
0x99: {  	[tilespmem:s28+$0x4C80] =	vst.add.f32.msk $0xffff, v25  }
.Ltmp0:
0x9a: {  	[tilespmem:s28+$0x4C90] =	vst.add.f32.msk $0xffff, v26;
	(pc) =	sbr.rel @p1 .LBB2_3-.Ltmp0, $4  }
0x9b: {  	[tilespmem:s28+$0x4CA0] =	vst.add.f32.msk $0xffff, v27  }
0x9c: {  	[tilespmem:s28+$0x4CB0] =	vst.add.f32.msk $0xffff, v28  }
0x9d: {  	[tilespmem:s28+$0x4CC0] =	vst.add.f32.msk $0xffff, v29  }
0x9e: {  	s31 =	sadd.s32 $0x800, s31;
	[tilespmem:s28+$0x4CD0] =	vst.add.f32.msk $0xffff, v30  }
0x9f: {  	s1 =	smul.u32 $0x320, s25;
	_ =	sdelay $0x1  }
0xa0: {  	s1 =	sadd.s32 s3, s1  }
0xa1: {  	s1 =	sshll.u32 s1, $0x3  }
0xa2: {  	[tilespmem:s28+$0x4CE0] =	vst.add.f32.msk $0xffff, v0;
	s1 =	sadd.s32 s2, s1  }
0xa3: {  	[hbm4b:s1+s4] =	stream.linear.scatter [tilespmem:s12], [sflag:$0x5], $0x3200, $0x38;
	[tilespmem:$0x11300] =	vst v63  }
0xa4: {  	s28 =	sor.u32 $0x2, s26;
	s1 =	simm.s32 @!p0 $0x7  }
0xa5: {  	s30 =	smul.u32 $0x320, s28;
	_ =	swait.ge @!p0 [sflag:s1], $0x3200  }
0xa6: {  	[sflag:s1] =	ssyncset.done @!p0 $0x0  }
0xa7: {  	[sflag:s1] =	ssyncadd.s32 @!p0 $0xFFFFCE00;
	s1 =	sshra.s32 s30, $0x2  }
0xa8: {  	[tilespmem:s15], [sflag:$0x3] =	stream.indirect.gather [hbm4b:s5+s11], $0x40, s1, s11, $0xb8;
	[tilespmem:$0x11300] =	vst v63  }
0xa9: {  	_ =	swait.ge [sflag:s16], $0x3200  }
0xaa: {  	[sflag:s16] =	ssyncset.done $0x0  }
0xab: {  	s30 =	simm.s32 $0x0;
	[sflag:s16] =	ssyncadd.s32 $0xFFFFCE00  }
0xac: {  	v0 =	vld [tilespmem:s30+$0x1AF0]  }
0xad: {  	v1 =	vld [tilespmem:s30+$0x1900]  }
0xae: {  	v2 =	vld [tilespmem:s30+$0x1910]  }
0xaf: {  	v3 =	vld [tilespmem:s30+$0x1920]  }
0xb0: {  	v4 =	vld [tilespmem:s30+$0x1930]  }
0xb1: {  	v5 =	vld [tilespmem:s30+$0x1940]  }
0xb2: {  	v6 =	vld [tilespmem:s30+$0x1950]  }
0xb3: {  	v7 =	vld [tilespmem:s30+$0x1960]  }
0xb4: {  	v8 =	vld [tilespmem:s30+$0x1970]  }
0xb5: {  	v9 =	vld [tilespmem:s30+$0x1980]  }
0xb6: {  	v10 =	vld [tilespmem:s30+$0x1990]  }
0xb7: {  	v11 =	vld [tilespmem:s30+$0x19A0]  }
0xb8: {  	v12 =	vld [tilespmem:s30+$0x19B0]  }
0xb9: {  	v13 =	vld [tilespmem:s30+$0x19C0]  }
0xba: {  	v14 =	vld [tilespmem:s30+$0x19D0]  }
0xbb: {  	v15 =	vld [tilespmem:s30+$0x19E0]  }
0xbc: {  	v16 =	vld [tilespmem:s30+$0x19F0]  }
0xbd: {  	v17 =	vld [tilespmem:s30+$0x1A00]  }
0xbe: {  	v18 =	vld [tilespmem:s30+$0x1A10]  }
0xbf: {  	v19 =	vld [tilespmem:s30+$0x1A20]  }
0xc0: {  	v20 =	vld [tilespmem:s30+$0x1A30]  }
0xc1: {  	v21 =	vld [tilespmem:s30+$0x1A40]  }
0xc2: {  	v22 =	vld [tilespmem:s30+$0x1A50]  }
0xc3: {  	v23 =	vld [tilespmem:s30+$0x1A60]  }
0xc4: {  	v24 =	vld [tilespmem:s30+$0x1A70]  }
0xc5: {  	v25 =	vld [tilespmem:s30+$0x1A80]  }
0xc6: {  	v26 =	vld [tilespmem:s30+$0x1A90]  }
0xc7: {  	v27 =	vld [tilespmem:s30+$0x1AA0]  }
0xc8: {  	v28 =	vld [tilespmem:s30+$0x1AB0]  }
0xc9: {  	v29 =	vld [tilespmem:s30+$0x1AC0]  }
0xca: {  	v30 =	vld [tilespmem:s30+$0x1AD0]  }
0xcb: {  	[tilespmem:s30+$0x7EF0] =	vst.add.f32.msk $0xffff, v0  }
0xcc: {  	v0 =	vld [tilespmem:s30+$0x1AE0]  }
0xcd: {  	[tilespmem:s30+$0x7D00] =	vst.add.f32.msk $0xffff, v1  }
0xce: {  	[tilespmem:s30+$0x7D10] =	vst.add.f32.msk $0xffff, v2  }
0xcf: {  	[tilespmem:s30+$0x7D20] =	vst.add.f32.msk $0xffff, v3  }
0xd0: {  	[tilespmem:s30+$0x7D30] =	vst.add.f32.msk $0xffff, v4  }
0xd1: {  	[tilespmem:s30+$0x7D40] =	vst.add.f32.msk $0xffff, v5  }
0xd2: {  	[tilespmem:s30+$0x7D50] =	vst.add.f32.msk $0xffff, v6  }
0xd3: {  	[tilespmem:s30+$0x7D60] =	vst.add.f32.msk $0xffff, v7  }
0xd4: {  	[tilespmem:s30+$0x7D70] =	vst.add.f32.msk $0xffff, v8  }
0xd5: {  	[tilespmem:s30+$0x7D80] =	vst.add.f32.msk $0xffff, v9  }
0xd6: {  	[tilespmem:s30+$0x7D90] =	vst.add.f32.msk $0xffff, v10  }
0xd7: {  	[tilespmem:s30+$0x7DA0] =	vst.add.f32.msk $0xffff, v11  }
0xd8: {  	[tilespmem:s30+$0x7DB0] =	vst.add.f32.msk $0xffff, v12  }
0xd9: {  	[tilespmem:s30+$0x7DC0] =	vst.add.f32.msk $0xffff, v13  }
0xda: {  	[tilespmem:s30+$0x7DD0] =	vst.add.f32.msk $0xffff, v14  }
0xdb: {  	[tilespmem:s30+$0x7DE0] =	vst.add.f32.msk $0xffff, v15  }
0xdc: {  	[tilespmem:s30+$0x7DF0] =	vst.add.f32.msk $0xffff, v16  }
0xdd: {  	[tilespmem:s30+$0x7E00] =	vst.add.f32.msk $0xffff, v17  }
0xde: {  	[tilespmem:s30+$0x7E10] =	vst.add.f32.msk $0xffff, v18  }
0xdf: {  	[tilespmem:s30+$0x7E20] =	vst.add.f32.msk $0xffff, v19  }
0xe0: {  	[tilespmem:s30+$0x7E30] =	vst.add.f32.msk $0xffff, v20  }
0xe1: {  	[tilespmem:s30+$0x7E40] =	vst.add.f32.msk $0xffff, v21  }
0xe2: {  	[tilespmem:s30+$0x7E50] =	vst.add.f32.msk $0xffff, v22  }
0xe3: {  	[tilespmem:s30+$0x7E60] =	vst.add.f32.msk $0xffff, v23  }
0xe4: {  	[tilespmem:s30+$0x7E70] =	vst.add.f32.msk $0xffff, v24  }
0xe5: {  	[tilespmem:s30+$0x7E80] =	vst.add.f32.msk $0xffff, v25  }
0xe6: {  	[tilespmem:s30+$0x7E90] =	vst.add.f32.msk $0xffff, v26  }
0xe7: {  	[tilespmem:s30+$0x7EA0] =	vst.add.f32.msk $0xffff, v27  }
0xe8: {  	[tilespmem:s30+$0x7EB0] =	vst.add.f32.msk $0xffff, v28  }
0xe9: {  	[tilespmem:s30+$0x7EC0] =	vst.add.f32.msk $0xffff, v29  }
0xea: {  	s31 =	simm.s32 $0x0;
	s1 =	simm.s32 $0x800;
	[tilespmem:s30+$0x7ED0] =	vst.add.f32.msk $0xffff, v30  }
.LBB2_5:
0xeb: {  	s31 =	sadd.s32 $0x8, s31;
	[tilespmem:s30+$0x7EE0] =	vst.add.f32.msk $0xffff, v0;
	s30 =	sshra.s32 s1, $0x2  }
0xec: {  	v0 =	vld [tilespmem:s30+$0x1AF0];
	p1 =	slt.u32 s31, $0xC0  }
0xed: {  	v1 =	vld [tilespmem:s30+$0x1900]  }
0xee: {  	v2 =	vld [tilespmem:s30+$0x1910]  }
0xef: {  	v3 =	vld [tilespmem:s30+$0x1920]  }
0xf0: {  	v4 =	vld [tilespmem:s30+$0x1930]  }
0xf1: {  	[tilespmem:s30+$0x7EF0] =	vst.add.f32.msk $0xffff, v0  }
0xf2: {  	v5 =	vld [tilespmem:s30+$0x1940]  }
0xf3: {  	v6 =	vld [tilespmem:s30+$0x1950]  }
0xf4: {  	v7 =	vld [tilespmem:s30+$0x1960]  }
0xf5: {  	v8 =	vld [tilespmem:s30+$0x1970]  }
0xf6: {  	v9 =	vld [tilespmem:s30+$0x1980]  }
0xf7: {  	v10 =	vld [tilespmem:s30+$0x1990]  }
0xf8: {  	v11 =	vld [tilespmem:s30+$0x19A0]  }
0xf9: {  	v12 =	vld [tilespmem:s30+$0x19B0]  }
0xfa: {  	v13 =	vld [tilespmem:s30+$0x19C0]  }
0xfb: {  	v14 =	vld [tilespmem:s30+$0x19D0]  }
0xfc: {  	v15 =	vld [tilespmem:s30+$0x19E0]  }
0xfd: {  	v16 =	vld [tilespmem:s30+$0x19F0]  }
0xfe: {  	v17 =	vld [tilespmem:s30+$0x1A00]  }
0xff: {  	v18 =	vld [tilespmem:s30+$0x1A10]  }
0x100: {  	v19 =	vld [tilespmem:s30+$0x1A20]  }
0x101: {  	v20 =	vld [tilespmem:s30+$0x1A30]  }
0x102: {  	v21 =	vld [tilespmem:s30+$0x1A40]  }
0x103: {  	v22 =	vld [tilespmem:s30+$0x1A50]  }
0x104: {  	v23 =	vld [tilespmem:s30+$0x1A60]  }
0x105: {  	v24 =	vld [tilespmem:s30+$0x1A70]  }
0x106: {  	v25 =	vld [tilespmem:s30+$0x1A80]  }
0x107: {  	v26 =	vld [tilespmem:s30+$0x1A90]  }
0x108: {  	v27 =	vld [tilespmem:s30+$0x1AA0]  }
0x109: {  	v28 =	vld [tilespmem:s30+$0x1AB0]  }
0x10a: {  	v29 =	vld [tilespmem:s30+$0x1AC0]  }
0x10b: {  	v30 =	vld [tilespmem:s30+$0x1AD0]  }
0x10c: {  	v0 =	vld [tilespmem:s30+$0x1AE0]  }
0x10d: {  	[tilespmem:s30+$0x7D00] =	vst.add.f32.msk $0xffff, v1  }
0x10e: {  	[tilespmem:s30+$0x7D10] =	vst.add.f32.msk $0xffff, v2  }
0x10f: {  	[tilespmem:s30+$0x7D20] =	vst.add.f32.msk $0xffff, v3  }
0x110: {  	[tilespmem:s30+$0x7D30] =	vst.add.f32.msk $0xffff, v4  }
0x111: {  	[tilespmem:s30+$0x7D40] =	vst.add.f32.msk $0xffff, v5  }
0x112: {  	[tilespmem:s30+$0x7D50] =	vst.add.f32.msk $0xffff, v6  }
0x113: {  	[tilespmem:s30+$0x7D60] =	vst.add.f32.msk $0xffff, v7  }
0x114: {  	[tilespmem:s30+$0x7D70] =	vst.add.f32.msk $0xffff, v8  }
0x115: {  	[tilespmem:s30+$0x7D80] =	vst.add.f32.msk $0xffff, v9  }
0x116: {  	[tilespmem:s30+$0x7D90] =	vst.add.f32.msk $0xffff, v10  }
0x117: {  	[tilespmem:s30+$0x7DA0] =	vst.add.f32.msk $0xffff, v11  }
0x118: {  	[tilespmem:s30+$0x7DB0] =	vst.add.f32.msk $0xffff, v12  }
0x119: {  	[tilespmem:s30+$0x7DC0] =	vst.add.f32.msk $0xffff, v13  }
0x11a: {  	[tilespmem:s30+$0x7DD0] =	vst.add.f32.msk $0xffff, v14  }
0x11b: {  	[tilespmem:s30+$0x7DE0] =	vst.add.f32.msk $0xffff, v15  }
0x11c: {  	[tilespmem:s30+$0x7DF0] =	vst.add.f32.msk $0xffff, v16  }
0x11d: {  	[tilespmem:s30+$0x7E00] =	vst.add.f32.msk $0xffff, v17  }
0x11e: {  	[tilespmem:s30+$0x7E10] =	vst.add.f32.msk $0xffff, v18  }
0x11f: {  	[tilespmem:s30+$0x7E20] =	vst.add.f32.msk $0xffff, v19  }
0x120: {  	[tilespmem:s30+$0x7E30] =	vst.add.f32.msk $0xffff, v20  }
0x121: {  	[tilespmem:s30+$0x7E40] =	vst.add.f32.msk $0xffff, v21  }
0x122: {  	[tilespmem:s30+$0x7E50] =	vst.add.f32.msk $0xffff, v22  }
0x123: {  	[tilespmem:s30+$0x7E60] =	vst.add.f32.msk $0xffff, v23  }
0x124: {  	[tilespmem:s30+$0x7E70] =	vst.add.f32.msk $0xffff, v24  }
0x125: {  	[tilespmem:s30+$0x7E80] =	vst.add.f32.msk $0xffff, v25  }
.Ltmp1:
0x126: {  	[tilespmem:s30+$0x7E90] =	vst.add.f32.msk $0xffff, v26;
	(pc) =	sbr.rel @p1 .LBB2_5-.Ltmp1, $4  }
0x127: {  	[tilespmem:s30+$0x7EA0] =	vst.add.f32.msk $0xffff, v27  }
0x128: {  	[tilespmem:s30+$0x7EB0] =	vst.add.f32.msk $0xffff, v28  }
0x129: {  	[tilespmem:s30+$0x7EC0] =	vst.add.f32.msk $0xffff, v29  }
0x12a: {  	s1 =	sadd.s32 $0x800, s1;
	[tilespmem:s30+$0x7ED0] =	vst.add.f32.msk $0xffff, v30  }
0x12b: {  	s1 =	smul.u32 $0xC8, s29;
	_ =	sdelay $0x1  }
0x12c: {  	s1 =	sadd.s32 s3, s1  }
0x12d: {  	s1 =	sshll.u32 s1, $0x3  }
0x12e: {  	s1 =	sand.u32 $0x1FFFFF40, s1  }
0x12f: {  	[tilespmem:s30+$0x7EE0] =	vst.add.f32.msk $0xffff, v0;
	s1 =	sadd.s32 s2, s1  }
0x130: {  	[hbm4b:s1+s4] =	stream.linear.scatter [tilespmem:s13], [sflag:$0x6], $0x3200, $0x38;
	[tilespmem:$0x11300] =	vst v63  }
0x131: {  	s26 =	sor.u32 $0x3, s26;
	s1 =	simm.s32 @!p0 $0x8  }
0x132: {  	s29 =	smul.u32 $0x320, s26;
	_ =	swait.ge @!p0 [sflag:s1], $0x3200  }
0x133: {  	[sflag:s1] =	ssyncset.done @!p0 $0x0  }
0x134: {  	s31 =	sshra.s32 s29, $0x2;
	[sflag:s1] =	ssyncadd.s32 @!p0 $0xFFFFCE00  }
0x135: {  	[tilespmem:s17], [sflag:$0x4] =	stream.indirect.gather [hbm4b:s5+s11], $0x40, s31, s11, $0xb8;
	[tilespmem:$0x11300] =	vst v63  }
0x136: {  	_ =	swait.ge [sflag:s18], $0x3200  }
0x137: {  	[sflag:s18] =	ssyncset.done $0x0  }
0x138: {  	s29 =	simm.s32 $0x0;
	[sflag:s18] =	ssyncadd.s32 $0xFFFFCE00  }
0x139: {  	v0 =	vld [tilespmem:s29+$0x1AF0]  }
0x13a: {  	v1 =	vld [tilespmem:s29+$0x1900]  }
0x13b: {  	v2 =	vld [tilespmem:s29+$0x1910]  }
0x13c: {  	v3 =	vld [tilespmem:s29+$0x1920]  }
0x13d: {  	v4 =	vld [tilespmem:s29+$0x1930]  }
0x13e: {  	v5 =	vld [tilespmem:s29+$0x1940]  }
0x13f: {  	v6 =	vld [tilespmem:s29+$0x1950]  }
0x140: {  	v7 =	vld [tilespmem:s29+$0x1960]  }
0x141: {  	v8 =	vld [tilespmem:s29+$0x1970]  }
0x142: {  	v9 =	vld [tilespmem:s29+$0x1980]  }
0x143: {  	v10 =	vld [tilespmem:s29+$0x1990]  }
0x144: {  	v11 =	vld [tilespmem:s29+$0x19A0]  }
0x145: {  	v12 =	vld [tilespmem:s29+$0x19B0]  }
0x146: {  	v13 =	vld [tilespmem:s29+$0x19C0]  }
0x147: {  	v14 =	vld [tilespmem:s29+$0x19D0]  }
0x148: {  	v15 =	vld [tilespmem:s29+$0x19E0]  }
0x149: {  	v16 =	vld [tilespmem:s29+$0x19F0]  }
0x14a: {  	v17 =	vld [tilespmem:s29+$0x1A00]  }
0x14b: {  	v18 =	vld [tilespmem:s29+$0x1A10]  }
0x14c: {  	v19 =	vld [tilespmem:s29+$0x1A20]  }
0x14d: {  	v20 =	vld [tilespmem:s29+$0x1A30]  }
0x14e: {  	v21 =	vld [tilespmem:s29+$0x1A40]  }
0x14f: {  	v22 =	vld [tilespmem:s29+$0x1A50]  }
0x150: {  	v23 =	vld [tilespmem:s29+$0x1A60]  }
0x151: {  	v24 =	vld [tilespmem:s29+$0x1A70]  }
0x152: {  	v25 =	vld [tilespmem:s29+$0x1A80]  }
0x153: {  	v26 =	vld [tilespmem:s29+$0x1A90]  }
0x154: {  	v27 =	vld [tilespmem:s29+$0x1AA0]  }
0x155: {  	v28 =	vld [tilespmem:s29+$0x1AB0]  }
0x156: {  	v29 =	vld [tilespmem:s29+$0x1AC0]  }
0x157: {  	v30 =	vld [tilespmem:s29+$0x1AD0]  }
0x158: {  	[tilespmem:s29+$0xB0F0] =	vst.add.f32.msk $0xffff, v0  }
0x159: {  	v0 =	vld [tilespmem:s29+$0x1AE0]  }
0x15a: {  	[tilespmem:s29+$0xAF00] =	vst.add.f32.msk $0xffff, v1  }
0x15b: {  	[tilespmem:s29+$0xAF10] =	vst.add.f32.msk $0xffff, v2  }
0x15c: {  	[tilespmem:s29+$0xAF20] =	vst.add.f32.msk $0xffff, v3  }
0x15d: {  	[tilespmem:s29+$0xAF30] =	vst.add.f32.msk $0xffff, v4  }
0x15e: {  	[tilespmem:s29+$0xAF40] =	vst.add.f32.msk $0xffff, v5  }
0x15f: {  	[tilespmem:s29+$0xAF50] =	vst.add.f32.msk $0xffff, v6  }
0x160: {  	[tilespmem:s29+$0xAF60] =	vst.add.f32.msk $0xffff, v7  }
0x161: {  	[tilespmem:s29+$0xAF70] =	vst.add.f32.msk $0xffff, v8  }
0x162: {  	[tilespmem:s29+$0xAF80] =	vst.add.f32.msk $0xffff, v9  }
0x163: {  	[tilespmem:s29+$0xAF90] =	vst.add.f32.msk $0xffff, v10  }
0x164: {  	[tilespmem:s29+$0xAFA0] =	vst.add.f32.msk $0xffff, v11  }
0x165: {  	[tilespmem:s29+$0xAFB0] =	vst.add.f32.msk $0xffff, v12  }
0x166: {  	[tilespmem:s29+$0xAFC0] =	vst.add.f32.msk $0xffff, v13  }
0x167: {  	[tilespmem:s29+$0xAFD0] =	vst.add.f32.msk $0xffff, v14  }
0x168: {  	[tilespmem:s29+$0xAFE0] =	vst.add.f32.msk $0xffff, v15  }
0x169: {  	[tilespmem:s29+$0xAFF0] =	vst.add.f32.msk $0xffff, v16  }
0x16a: {  	[tilespmem:s29+$0xB000] =	vst.add.f32.msk $0xffff, v17  }
0x16b: {  	[tilespmem:s29+$0xB010] =	vst.add.f32.msk $0xffff, v18  }
0x16c: {  	[tilespmem:s29+$0xB020] =	vst.add.f32.msk $0xffff, v19  }
0x16d: {  	[tilespmem:s29+$0xB030] =	vst.add.f32.msk $0xffff, v20  }
0x16e: {  	[tilespmem:s29+$0xB040] =	vst.add.f32.msk $0xffff, v21  }
0x16f: {  	[tilespmem:s29+$0xB050] =	vst.add.f32.msk $0xffff, v22  }
0x170: {  	[tilespmem:s29+$0xB060] =	vst.add.f32.msk $0xffff, v23  }
0x171: {  	[tilespmem:s29+$0xB070] =	vst.add.f32.msk $0xffff, v24  }
0x172: {  	[tilespmem:s29+$0xB080] =	vst.add.f32.msk $0xffff, v25  }
0x173: {  	[tilespmem:s29+$0xB090] =	vst.add.f32.msk $0xffff, v26  }
0x174: {  	[tilespmem:s29+$0xB0A0] =	vst.add.f32.msk $0xffff, v27  }
0x175: {  	[tilespmem:s29+$0xB0B0] =	vst.add.f32.msk $0xffff, v28  }
0x176: {  	[tilespmem:s29+$0xB0C0] =	vst.add.f32.msk $0xffff, v29  }
0x177: {  	s30 =	simm.s32 $0x0;
	s1 =	simm.s32 $0x800;
	[tilespmem:s29+$0xB0D0] =	vst.add.f32.msk $0xffff, v30  }
.LBB2_7:
0x178: {  	s30 =	sadd.s32 $0x8, s30;
	[tilespmem:s29+$0xB0E0] =	vst.add.f32.msk $0xffff, v0;
	s29 =	sshra.s32 s1, $0x2  }
0x179: {  	v0 =	vld [tilespmem:s29+$0x1AF0];
	p0 =	slt.u32 s30, $0xC0  }
0x17a: {  	v1 =	vld [tilespmem:s29+$0x1900]  }
0x17b: {  	v2 =	vld [tilespmem:s29+$0x1910]  }
0x17c: {  	v3 =	vld [tilespmem:s29+$0x1920]  }
0x17d: {  	v4 =	vld [tilespmem:s29+$0x1930]  }
0x17e: {  	[tilespmem:s29+$0xB0F0] =	vst.add.f32.msk $0xffff, v0  }
0x17f: {  	v5 =	vld [tilespmem:s29+$0x1940]  }
0x180: {  	v6 =	vld [tilespmem:s29+$0x1950]  }
0x181: {  	v7 =	vld [tilespmem:s29+$0x1960]  }
0x182: {  	v8 =	vld [tilespmem:s29+$0x1970]  }
0x183: {  	v9 =	vld [tilespmem:s29+$0x1980]  }
0x184: {  	v10 =	vld [tilespmem:s29+$0x1990]  }
0x185: {  	v11 =	vld [tilespmem:s29+$0x19A0]  }
0x186: {  	v12 =	vld [tilespmem:s29+$0x19B0]  }
0x187: {  	v13 =	vld [tilespmem:s29+$0x19C0]  }
0x188: {  	v14 =	vld [tilespmem:s29+$0x19D0]  }
0x189: {  	v15 =	vld [tilespmem:s29+$0x19E0]  }
0x18a: {  	v16 =	vld [tilespmem:s29+$0x19F0]  }
0x18b: {  	v17 =	vld [tilespmem:s29+$0x1A00]  }
0x18c: {  	v18 =	vld [tilespmem:s29+$0x1A10]  }
0x18d: {  	v19 =	vld [tilespmem:s29+$0x1A20]  }
0x18e: {  	v20 =	vld [tilespmem:s29+$0x1A30]  }
0x18f: {  	v21 =	vld [tilespmem:s29+$0x1A40]  }
0x190: {  	v22 =	vld [tilespmem:s29+$0x1A50]  }
0x191: {  	v23 =	vld [tilespmem:s29+$0x1A60]  }
0x192: {  	v24 =	vld [tilespmem:s29+$0x1A70]  }
0x193: {  	v25 =	vld [tilespmem:s29+$0x1A80]  }
0x194: {  	v26 =	vld [tilespmem:s29+$0x1A90]  }
0x195: {  	v27 =	vld [tilespmem:s29+$0x1AA0]  }
0x196: {  	v28 =	vld [tilespmem:s29+$0x1AB0]  }
0x197: {  	v29 =	vld [tilespmem:s29+$0x1AC0]  }
0x198: {  	v30 =	vld [tilespmem:s29+$0x1AD0]  }
0x199: {  	v0 =	vld [tilespmem:s29+$0x1AE0]  }
0x19a: {  	[tilespmem:s29+$0xAF00] =	vst.add.f32.msk $0xffff, v1  }
0x19b: {  	[tilespmem:s29+$0xAF10] =	vst.add.f32.msk $0xffff, v2  }
0x19c: {  	[tilespmem:s29+$0xAF20] =	vst.add.f32.msk $0xffff, v3  }
0x19d: {  	[tilespmem:s29+$0xAF30] =	vst.add.f32.msk $0xffff, v4  }
0x19e: {  	[tilespmem:s29+$0xAF40] =	vst.add.f32.msk $0xffff, v5  }
0x19f: {  	[tilespmem:s29+$0xAF50] =	vst.add.f32.msk $0xffff, v6  }
0x1a0: {  	[tilespmem:s29+$0xAF60] =	vst.add.f32.msk $0xffff, v7  }
0x1a1: {  	[tilespmem:s29+$0xAF70] =	vst.add.f32.msk $0xffff, v8  }
0x1a2: {  	[tilespmem:s29+$0xAF80] =	vst.add.f32.msk $0xffff, v9  }
0x1a3: {  	[tilespmem:s29+$0xAF90] =	vst.add.f32.msk $0xffff, v10  }
0x1a4: {  	[tilespmem:s29+$0xAFA0] =	vst.add.f32.msk $0xffff, v11  }
0x1a5: {  	[tilespmem:s29+$0xAFB0] =	vst.add.f32.msk $0xffff, v12  }
0x1a6: {  	[tilespmem:s29+$0xAFC0] =	vst.add.f32.msk $0xffff, v13  }
0x1a7: {  	[tilespmem:s29+$0xAFD0] =	vst.add.f32.msk $0xffff, v14  }
0x1a8: {  	[tilespmem:s29+$0xAFE0] =	vst.add.f32.msk $0xffff, v15  }
0x1a9: {  	[tilespmem:s29+$0xAFF0] =	vst.add.f32.msk $0xffff, v16  }
0x1aa: {  	[tilespmem:s29+$0xB000] =	vst.add.f32.msk $0xffff, v17  }
0x1ab: {  	[tilespmem:s29+$0xB010] =	vst.add.f32.msk $0xffff, v18  }
0x1ac: {  	[tilespmem:s29+$0xB020] =	vst.add.f32.msk $0xffff, v19  }
0x1ad: {  	[tilespmem:s29+$0xB030] =	vst.add.f32.msk $0xffff, v20  }
0x1ae: {  	[tilespmem:s29+$0xB040] =	vst.add.f32.msk $0xffff, v21  }
0x1af: {  	[tilespmem:s29+$0xB050] =	vst.add.f32.msk $0xffff, v22  }
0x1b0: {  	[tilespmem:s29+$0xB060] =	vst.add.f32.msk $0xffff, v23  }
0x1b1: {  	[tilespmem:s29+$0xB070] =	vst.add.f32.msk $0xffff, v24  }
0x1b2: {  	[tilespmem:s29+$0xB080] =	vst.add.f32.msk $0xffff, v25  }
.Ltmp2:
0x1b3: {  	[tilespmem:s29+$0xB090] =	vst.add.f32.msk $0xffff, v26;
	(pc) =	sbr.rel @p0 .LBB2_7-.Ltmp2, $4  }
0x1b4: {  	[tilespmem:s29+$0xB0A0] =	vst.add.f32.msk $0xffff, v27  }
0x1b5: {  	[tilespmem:s29+$0xB0B0] =	vst.add.f32.msk $0xffff, v28  }
0x1b6: {  	[tilespmem:s29+$0xB0C0] =	vst.add.f32.msk $0xffff, v29  }
0x1b7: {  	s1 =	sadd.s32 $0x800, s1;
	[tilespmem:s29+$0xB0D0] =	vst.add.f32.msk $0xffff, v30  }
0x1b8: {  	s1 =	smul.u32 $0xC8, s28;
	_ =	sdelay $0x1  }
0x1b9: {  	s1 =	sadd.s32 s3, s1  }
0x1ba: {  	s1 =	sshll.u32 s1, $0x3  }
0x1bb: {  	s1 =	sand.u32 $0x1FFFFF80, s1  }
0x1bc: {  	[tilespmem:s29+$0xB0E0] =	vst.add.f32.msk $0xffff, v0;
	p0 =	seq.s32 s25, $0x7;
	s1 =	sadd.s32 s2, s1  }
0x1bd: {  	[hbm4b:s1+s4] =	stream.linear.scatter [tilespmem:s15], [sflag:$0x7], $0x3200, $0x38;
	[tilespmem:$0x11300] =	vst v63  }
0x1be: {  	s1 =	smul.u32 @!p0 $0xC80, s25  }
0x1bf: {  	_ =	swait.ge [sflag:s19], $0x3200  }
0x1c0: {  	s28 =	simm.s32 @!p0 $0xC8;
	[sflag:s19] =	ssyncset.done $0x0;
	s1 =	sshra.s32 @!p0 s1, $0x2  }
0x1c1: {  	s29 =	simm.s32 @!p0 $0x4B00;
	[sflag:s19] =	ssyncadd.s32 $0xFFFFCE00;
	s1 =	sadd.s32 @!p0 $0x320, s1  }
0x1c2: {  	[tilespmem:s29], [sflag:$0x1] =	stream.indirect.gather @!p0 [hbm4b:s5+s28], $0x40, s1, s28, $0xb8;
	[tilespmem:$0x11300] =	vst v63  }
0x1c3: {  	_ =	swait.ge [sflag:s20], $0x3200  }
0x1c4: {  	[sflag:s20] =	ssyncset.done $0x0  }
0x1c5: {  	s28 =	simm.s32 $0x0;
	[sflag:s20] =	ssyncadd.s32 $0xFFFFCE00  }
0x1c6: {  	v0 =	vld [tilespmem:s28+$0x1AF0]  }
0x1c7: {  	v1 =	vld [tilespmem:s28+$0x1900]  }
0x1c8: {  	v2 =	vld [tilespmem:s28+$0x1910]  }
0x1c9: {  	v3 =	vld [tilespmem:s28+$0x1920]  }
0x1ca: {  	v4 =	vld [tilespmem:s28+$0x1930]  }
0x1cb: {  	v5 =	vld [tilespmem:s28+$0x1940]  }
0x1cc: {  	v6 =	vld [tilespmem:s28+$0x1950]  }
0x1cd: {  	v7 =	vld [tilespmem:s28+$0x1960]  }
0x1ce: {  	v8 =	vld [tilespmem:s28+$0x1970]  }
0x1cf: {  	v9 =	vld [tilespmem:s28+$0x1980]  }
0x1d0: {  	v10 =	vld [tilespmem:s28+$0x1990]  }
0x1d1: {  	v11 =	vld [tilespmem:s28+$0x19A0]  }
0x1d2: {  	v12 =	vld [tilespmem:s28+$0x19B0]  }
0x1d3: {  	v13 =	vld [tilespmem:s28+$0x19C0]  }
0x1d4: {  	v14 =	vld [tilespmem:s28+$0x19D0]  }
0x1d5: {  	v15 =	vld [tilespmem:s28+$0x19E0]  }
0x1d6: {  	v16 =	vld [tilespmem:s28+$0x19F0]  }
0x1d7: {  	v17 =	vld [tilespmem:s28+$0x1A00]  }
0x1d8: {  	v18 =	vld [tilespmem:s28+$0x1A10]  }
0x1d9: {  	v19 =	vld [tilespmem:s28+$0x1A20]  }
0x1da: {  	v20 =	vld [tilespmem:s28+$0x1A30]  }
0x1db: {  	v21 =	vld [tilespmem:s28+$0x1A40]  }
0x1dc: {  	v22 =	vld [tilespmem:s28+$0x1A50]  }
0x1dd: {  	v23 =	vld [tilespmem:s28+$0x1A60]  }
0x1de: {  	v24 =	vld [tilespmem:s28+$0x1A70]  }
0x1df: {  	v25 =	vld [tilespmem:s28+$0x1A80]  }
0x1e0: {  	v26 =	vld [tilespmem:s28+$0x1A90]  }
0x1e1: {  	v27 =	vld [tilespmem:s28+$0x1AA0]  }
0x1e2: {  	v28 =	vld [tilespmem:s28+$0x1AB0]  }
0x1e3: {  	v29 =	vld [tilespmem:s28+$0x1AC0]  }
0x1e4: {  	v30 =	vld [tilespmem:s28+$0x1AD0]  }
0x1e5: {  	[tilespmem:s28+$0xE2F0] =	vst.add.f32.msk $0xffff, v0  }
0x1e6: {  	v0 =	vld [tilespmem:s28+$0x1AE0]  }
0x1e7: {  	[tilespmem:s28+$0xE100] =	vst.add.f32.msk $0xffff, v1  }
0x1e8: {  	[tilespmem:s28+$0xE110] =	vst.add.f32.msk $0xffff, v2  }
0x1e9: {  	[tilespmem:s28+$0xE120] =	vst.add.f32.msk $0xffff, v3  }
0x1ea: {  	[tilespmem:s28+$0xE130] =	vst.add.f32.msk $0xffff, v4  }
0x1eb: {  	[tilespmem:s28+$0xE140] =	vst.add.f32.msk $0xffff, v5  }
0x1ec: {  	[tilespmem:s28+$0xE150] =	vst.add.f32.msk $0xffff, v6  }
0x1ed: {  	[tilespmem:s28+$0xE160] =	vst.add.f32.msk $0xffff, v7  }
0x1ee: {  	[tilespmem:s28+$0xE170] =	vst.add.f32.msk $0xffff, v8  }
0x1ef: {  	[tilespmem:s28+$0xE180] =	vst.add.f32.msk $0xffff, v9  }
0x1f0: {  	[tilespmem:s28+$0xE190] =	vst.add.f32.msk $0xffff, v10  }
0x1f1: {  	[tilespmem:s28+$0xE1A0] =	vst.add.f32.msk $0xffff, v11  }
0x1f2: {  	[tilespmem:s28+$0xE1B0] =	vst.add.f32.msk $0xffff, v12  }
0x1f3: {  	[tilespmem:s28+$0xE1C0] =	vst.add.f32.msk $0xffff, v13  }
0x1f4: {  	[tilespmem:s28+$0xE1D0] =	vst.add.f32.msk $0xffff, v14  }
0x1f5: {  	[tilespmem:s28+$0xE1E0] =	vst.add.f32.msk $0xffff, v15  }
0x1f6: {  	[tilespmem:s28+$0xE1F0] =	vst.add.f32.msk $0xffff, v16  }
0x1f7: {  	[tilespmem:s28+$0xE200] =	vst.add.f32.msk $0xffff, v17  }
0x1f8: {  	[tilespmem:s28+$0xE210] =	vst.add.f32.msk $0xffff, v18  }
0x1f9: {  	[tilespmem:s28+$0xE220] =	vst.add.f32.msk $0xffff, v19  }
0x1fa: {  	[tilespmem:s28+$0xE230] =	vst.add.f32.msk $0xffff, v20  }
0x1fb: {  	[tilespmem:s28+$0xE240] =	vst.add.f32.msk $0xffff, v21  }
0x1fc: {  	[tilespmem:s28+$0xE250] =	vst.add.f32.msk $0xffff, v22  }
0x1fd: {  	[tilespmem:s28+$0xE260] =	vst.add.f32.msk $0xffff, v23  }
0x1fe: {  	[tilespmem:s28+$0xE270] =	vst.add.f32.msk $0xffff, v24  }
0x1ff: {  	[tilespmem:s28+$0xE280] =	vst.add.f32.msk $0xffff, v25  }
0x200: {  	[tilespmem:s28+$0xE290] =	vst.add.f32.msk $0xffff, v26  }
0x201: {  	[tilespmem:s28+$0xE2A0] =	vst.add.f32.msk $0xffff, v27  }
0x202: {  	[tilespmem:s28+$0xE2B0] =	vst.add.f32.msk $0xffff, v28  }
0x203: {  	[tilespmem:s28+$0xE2C0] =	vst.add.f32.msk $0xffff, v29  }
0x204: {  	s29 =	simm.s32 $0x0;
	s1 =	simm.s32 $0x800;
	[tilespmem:s28+$0xE2D0] =	vst.add.f32.msk $0xffff, v30  }
.LBB2_9:
0x205: {  	s29 =	sadd.s32 $0x8, s29;
	[tilespmem:s28+$0xE2E0] =	vst.add.f32.msk $0xffff, v0;
	s28 =	sshra.s32 s1, $0x2  }
0x206: {  	v0 =	vld [tilespmem:s28+$0x1AF0];
	p0 =	slt.u32 s29, $0xC0  }
0x207: {  	v1 =	vld [tilespmem:s28+$0x1900]  }
0x208: {  	v2 =	vld [tilespmem:s28+$0x1910]  }
0x209: {  	v3 =	vld [tilespmem:s28+$0x1920]  }
0x20a: {  	v4 =	vld [tilespmem:s28+$0x1930]  }
0x20b: {  	[tilespmem:s28+$0xE2F0] =	vst.add.f32.msk $0xffff, v0  }
0x20c: {  	v5 =	vld [tilespmem:s28+$0x1940]  }
0x20d: {  	v6 =	vld [tilespmem:s28+$0x1950]  }
0x20e: {  	v7 =	vld [tilespmem:s28+$0x1960]  }
0x20f: {  	v8 =	vld [tilespmem:s28+$0x1970]  }
0x210: {  	v9 =	vld [tilespmem:s28+$0x1980]  }
0x211: {  	v10 =	vld [tilespmem:s28+$0x1990]  }
0x212: {  	v11 =	vld [tilespmem:s28+$0x19A0]  }
0x213: {  	v12 =	vld [tilespmem:s28+$0x19B0]  }
0x214: {  	v13 =	vld [tilespmem:s28+$0x19C0]  }
0x215: {  	v14 =	vld [tilespmem:s28+$0x19D0]  }
0x216: {  	v15 =	vld [tilespmem:s28+$0x19E0]  }
0x217: {  	v16 =	vld [tilespmem:s28+$0x19F0]  }
0x218: {  	v17 =	vld [tilespmem:s28+$0x1A00]  }
0x219: {  	v18 =	vld [tilespmem:s28+$0x1A10]  }
0x21a: {  	v19 =	vld [tilespmem:s28+$0x1A20]  }
0x21b: {  	v20 =	vld [tilespmem:s28+$0x1A30]  }
0x21c: {  	v21 =	vld [tilespmem:s28+$0x1A40]  }
0x21d: {  	v22 =	vld [tilespmem:s28+$0x1A50]  }
0x21e: {  	v23 =	vld [tilespmem:s28+$0x1A60]  }
0x21f: {  	v24 =	vld [tilespmem:s28+$0x1A70]  }
0x220: {  	v25 =	vld [tilespmem:s28+$0x1A80]  }
0x221: {  	v26 =	vld [tilespmem:s28+$0x1A90]  }
0x222: {  	v27 =	vld [tilespmem:s28+$0x1AA0]  }
0x223: {  	v28 =	vld [tilespmem:s28+$0x1AB0]  }
0x224: {  	v29 =	vld [tilespmem:s28+$0x1AC0]  }
0x225: {  	v30 =	vld [tilespmem:s28+$0x1AD0]  }
0x226: {  	v0 =	vld [tilespmem:s28+$0x1AE0]  }
0x227: {  	[tilespmem:s28+$0xE100] =	vst.add.f32.msk $0xffff, v1  }
0x228: {  	[tilespmem:s28+$0xE110] =	vst.add.f32.msk $0xffff, v2  }
0x229: {  	[tilespmem:s28+$0xE120] =	vst.add.f32.msk $0xffff, v3  }
0x22a: {  	[tilespmem:s28+$0xE130] =	vst.add.f32.msk $0xffff, v4  }
0x22b: {  	[tilespmem:s28+$0xE140] =	vst.add.f32.msk $0xffff, v5  }
0x22c: {  	[tilespmem:s28+$0xE150] =	vst.add.f32.msk $0xffff, v6  }
0x22d: {  	[tilespmem:s28+$0xE160] =	vst.add.f32.msk $0xffff, v7  }
0x22e: {  	[tilespmem:s28+$0xE170] =	vst.add.f32.msk $0xffff, v8  }
0x22f: {  	[tilespmem:s28+$0xE180] =	vst.add.f32.msk $0xffff, v9  }
0x230: {  	[tilespmem:s28+$0xE190] =	vst.add.f32.msk $0xffff, v10  }
0x231: {  	[tilespmem:s28+$0xE1A0] =	vst.add.f32.msk $0xffff, v11  }
0x232: {  	[tilespmem:s28+$0xE1B0] =	vst.add.f32.msk $0xffff, v12  }
0x233: {  	[tilespmem:s28+$0xE1C0] =	vst.add.f32.msk $0xffff, v13  }
0x234: {  	[tilespmem:s28+$0xE1D0] =	vst.add.f32.msk $0xffff, v14  }
0x235: {  	[tilespmem:s28+$0xE1E0] =	vst.add.f32.msk $0xffff, v15  }
0x236: {  	[tilespmem:s28+$0xE1F0] =	vst.add.f32.msk $0xffff, v16  }
0x237: {  	[tilespmem:s28+$0xE200] =	vst.add.f32.msk $0xffff, v17  }
0x238: {  	[tilespmem:s28+$0xE210] =	vst.add.f32.msk $0xffff, v18  }
0x239: {  	[tilespmem:s28+$0xE220] =	vst.add.f32.msk $0xffff, v19  }
0x23a: {  	[tilespmem:s28+$0xE230] =	vst.add.f32.msk $0xffff, v20  }
0x23b: {  	[tilespmem:s28+$0xE240] =	vst.add.f32.msk $0xffff, v21  }
0x23c: {  	[tilespmem:s28+$0xE250] =	vst.add.f32.msk $0xffff, v22  }
0x23d: {  	[tilespmem:s28+$0xE260] =	vst.add.f32.msk $0xffff, v23  }
0x23e: {  	[tilespmem:s28+$0xE270] =	vst.add.f32.msk $0xffff, v24  }
0x23f: {  	[tilespmem:s28+$0xE280] =	vst.add.f32.msk $0xffff, v25  }
.Ltmp3:
0x240: {  	[tilespmem:s28+$0xE290] =	vst.add.f32.msk $0xffff, v26;
	(pc) =	sbr.rel @p0 .LBB2_9-.Ltmp3, $4  }
0x241: {  	[tilespmem:s28+$0xE2A0] =	vst.add.f32.msk $0xffff, v27  }
0x242: {  	[tilespmem:s28+$0xE2B0] =	vst.add.f32.msk $0xffff, v28  }
0x243: {  	[tilespmem:s28+$0xE2C0] =	vst.add.f32.msk $0xffff, v29  }
0x244: {  	s1 =	sadd.s32 $0x800, s1;
	[tilespmem:s28+$0xE2D0] =	vst.add.f32.msk $0xffff, v30  }
0x245: {  	s1 =	smul.u32 $0xC8, s26;
	s25 =	sadd.s32 $0x1, s25  }
0x246: {  	p0 =	sne.s32 s25, $0x8  }
.Ltmp4:
0x247: {  	s1 =	sadd.s32 s3, s1;
	(pc) =	sbr.rel @p0 .LBB2_2-.Ltmp4, $4  }
0x248: {  	s1 =	sshll.u32 s1, $0x3  }
0x249: {  	s1 =	sand.u32 $0x1FFFFFC0, s1  }
0x24a: {  	[tilespmem:s28+$0xE2E0] =	vst.add.f32.msk $0xffff, v0;
	s1 =	sadd.s32 s2, s1  }
0x24b: {  	[hbm4b:s1+s4] =	stream.linear.scatter [tilespmem:s17], [sflag:$0x8], $0x3200, $0x38;
	[tilespmem:$0x11300] =	vst v63  }
0x24c: {  	_ =	swait.ge [sflag:s21], $0x3200  }
0x24d: {  	[sflag:s21] =	ssyncset.done $0x0  }
0x24e: {  	s24 =	sadd.s32 $0x1, s24;
	[sflag:s21] =	ssyncadd.s32 $0xFFFFCE00  }
0x24f: {  	p0 =	sne.s32 s24, s8;
	_ =	swait.ge [sflag:s22], $0x3200  }
.Ltmp5:
0x250: {  	[sflag:s22] =	ssyncset.done $0x0;
	(pc) =	sbr.rel @p0 .LBB2_1-.Ltmp5, $4  }
0x251: {  	[sflag:s22] =	ssyncadd.s32 $0xFFFFCE00  }
0x252: {  	_ =	swait.ge [sflag:s23], $0x3200  }
0x253: {  	[sflag:s23] =	ssyncset.done $0x0  }
0x254: {  	[sflag:s23] =	ssyncadd.s32 $0xFFFFCE00  }
0x255: {  	_ =	sfence.sel $0x180000  }
0x256: {  	[bflag:$0x0] =	sbarrier.arrive $0xFFFF  }
0x257: {  	_ =	strace $0x90000047  }
0x258: {  	[bflag:$0x2] =	sbarrier.arrive $0xFFFF  }
0x259: {  	p0 =	sne.s32 s0, $0x0;
	s0 =	rddreg [dreg:$0x2]  }
0x25a: {  	s0 =	sadd.s32 @!p0 $0x100000, s0  }
0x25b: {  	[sflag:s0] =	ssyncadd.tile.s32 @!p0 $0x1;
	_ =	shalt  }
.Lfunc_end2:
_tile_overlayer_lowered:
.L_overlay_start_2:
0x25c: {  	(tag) =	ssettag $0x2  }
0x25d: {  	s0 =	rddreg [dreg:$0x0];
	s2 =	stileid.u32  }
0x25e: {  	s1 =	rddreg [dreg:$0x1];
	p0 =	sne.s32 s2, $0x0  }
0x25f: {  	s3 =	rddreg [dreg:$0x2];
	[bflag:$0x3] =	sbarrier.arrive $0xFFFF;
	s2 =	simm.s32 @!p0 $0x1C09  }
0x260: {  	[timem:s3], [sflag:s2] =	dma.local @!p0 [hbm:s0], s1  }
0x261: {  	s0 =	simm.s32 @!p0 $0x9  }
0x262: {  	_ =	swait.ge @!p0 [sflag:s0], s1  }
0x263: {  	s1 =	ssub.s32 @!p0 $0x0, s1;
	[sflag:s0] =	ssyncset.done @!p0 $0x0  }
0x264: {  	[sflag:s0] =	ssyncadd.s32 @!p0 s1  }
0x265: {  	[bflag:$0x3] =	sbarrier.arrive $0xFFFF  }
0x266: {  	_ =	shalt  }

// kernel: sparse-core-data-format-call.cloned.1.call-start
scs
called_computation_lowered:
.L_overlay_start_0:
0x0: {  	s2 =	sld [smem:$0x3FD9]  }
0x1: {  	s3 =	sld [smem:$0x3FFE];
	_ =	sdelay $0x1  }
0x2: {  	s1 =	srdreg.scid  }
0x3: {  	s0 =	sand.u32 $0x1, s1  }
0x4: {  	s18 =	sshll.u32 s0, $0xA;
	s2 =	sadd.s32 s3, s2  }
0x5: {  	s2 =	sadd.s32 s2, s18  }
0x6: {  	[smem:$0x3FC5] =	sst s2  }
0x7: {  	_ = 	snop  }
0x8: {  	s2 =	sld [smem:$0x3FD0];
	(tm) =	ssettm $0x1  }
0x9: {  	s19 =	sld [smem:$0x3FFB];
	_ =	sdelay $0x3  }
0xa: {  	_ =	strace s19  }
0xb: {  	s3 =	sld [smem:$0x3FFC];
	_ =	sdelay $0x3  }
0xc: {  	_ =	strace s3  }
0xd: {  	s3 =	sld [smem:$0x3FFD];
	_ =	sdelay $0x3  }
0xe: {  	_ =	strace s3  }
0xf: {  	_ =	strace $0x8FFFFFFF  }
0x10: {  	s20 =	sld [smem:$0x3FDB];
	_ =	sdelay $0x1  }
0x11: {  	s4 =	simm.s32 $_scs_section_size  }
0x12: {  	s5 =	simm.s32 $_size__tile_overlayer_lowered;
	s6 =	simm.s32 $_tile_overlayer_lowered  }
0x13: {  	s23 =	simm.s32 $0x1BFF;
	s22 =	sshll.u32 s6, $0x1;
	s3 =	sadd.s32 s4, s20  }
0x14: {  	s7 =	simm.s32 $0x0;
	s21 =	sshll.u32 s5, $0x1;
	s5 =	sadd.s32 s22, s3  }
0x15: {  	[timem:s7], [sflag:s23] =	dma.local [hbm:s5], s21  }
0x16: {  	_ =	swait.ge [sflag:s23], s21  }
0x17: {  	s4 =	ssub.s32 $0x0, s21;
	[sflag:s23] =	ssyncset.done $0x0  }
0x18: {  	[sflag:s23] =	ssyncadd.s32 s4;
	_ =	sdelay $0x1  }
0x19: {  	s24 =	simm.s32 $0x1B8B  }
0x1a: {  	_ =	swait.ge [sflag:s24], $0x1  }
0x1b: {  	[sflag:s24] =	ssyncset.done $0x0  }
0x1c: {  	s26 =	simm.s32 $0x1B8E;
	s25 =	sld [smem:$0x3FFE];
	[sflag:s24] =	ssyncadd.s32 $0xFFFFFFFF  }
0x1d: {  	s27 =	simm.s32 $execute0_lowered;
	[smem:$0x3FD2] =	sst s26  }
0x1e: {  	s5 =	sshll.u32 s27, $0x1;
	_ =	strace $0x80000049;
	[dreg:$0x1] =	wrdreg $0xFFFFFFFF  }
0x1f: {  	s28 =	simm.s32 $_size_execute0_lowered;
	s3 =	sadd.s32 s3, s5;
	[dreg:$0x0] =	wrdreg $0x0  }
0x20: {  	s5 =	sshll.u32 s28, $0x1;
	[dreg:$0x2] =	wrdreg s3  }
0x21: {  	[dreg:$0x3] =	wrdreg s5  }
0x22: {  	[dreg:$0x4] =	wrdreg $0xC0  }
0x23: {  	_ =	task [dreg:s7], $0x5FFFF  }
0x24: {  	[dreg:$0x1] =	wrdreg $0xFFFFFFFF  }
0x25: {  	[dreg:$0x0] =	wrdreg $0x60  }
0x26: {  	[dreg:$0x2] =	wrdreg s25  }
0x27: {  	[dreg:$0x3] =	wrdreg s2  }
0x28: {  	[dreg:$0x4] =	wrdreg $0x9  }
0x29: {  	_ =	task.clear_ibuf [dreg:s7], $0x5FFFF;
	_ =	strace $0x90000049  }
0x2a: {  	s29 =	simm.s32 $0x9;
	_ =	strace $0x8000004B  }
0x2b: {  	_ =	swait.ge [sflag:s29], $0x1  }
0x2c: {  	[sflag:s29] =	ssyncadd.s32 $0xFFFFFFFF  }
0x2d: {  	_ =	strace $0x9000004B  }
0x2e: {  	_ =	sfence  }
0x2f: {  	s30 =	sld [smem:$0x0];
	_ =	sdelay $0x2  }
0x30: {  	s31 =	sshll.u32 s1, $0xD;
	s1 =	sshrl.u32 s1, $0x2  }
0x31: {  	s3 =	sand.u32 $0x4000, s31;
	s1 =	sadd.s32 s1, s30  }
0x32: {  	s0 =	sor.u32 s3, s0;
	s1 =	sshll.u32 s1, $0x11  }
0x33: {  	s0 =	sor.u32 s1, s0  }
0x34: {  	s0 =	sadd.s32 $0x8F2B, s0  }
0x35: {  	[sflag:s0] =	ssyncadd.remote.s32 $0x1  }
0x36: {  	_ =	sfence.sel $0xFFFF  }
0x37: {  	[dreg:$0x0] =	wrdreg $0xFFFFFFFF;
	(pc) =	sbr.abs _section_cstart, $3  }
0x38: {  	[dreg:$0x1] =	wrdreg $0xFFFFFFFF  }
0x39: {  	_ =	task.clear_ibuf [dreg:s7], $0x2FFFF;
	_ =	strace $0x9FFFFFFF  }
0x3a: {  	(tm) =	ssettm $0x7FFFFFFF  }
0x3b: {  	_ =	shalt  }
tec
execute0_lowered:
.L_overlay_start_1:
0x0: {  	(tag) =	ssettag $0x1  }
0x1: {  	s0 =	stileid.u32;
	s6 =	rddreg [dreg:$0x0]  }
0x2: {  	s2 =	rddreg [dreg:$0x1];
	s5 =	srdreg.scid  }
0x3: {  	s31 =	simm.s32 $0x2;
	s13 =	simm.s32 $0x0;
	s1 =	sshll.u32 s0, $0x7  }
0x4: {  	s14 =	simm.s32 $0x0;
	s12 =	simm.s32 $0x0;
	s3 =	sand.u32 $0x380, s1  }
0x5: {  	s5 =	sshll.u32 s5, $0x4;
	s6 =	sadd.s32 $0xC00, s6;
	s4 =	ssub.s32 $0x400, s3  }
0x6: {  	s1 =	rddreg [dreg:$0x2];
	_ =	strace $0x8000004A;
	s7 =	sand.u32 $0x380, s4  }
0x7: {  	s5 =	sand.u32 $0x10, s5;
	p0 =	sne.s32 s7, $0x0;
	s7 =	simm.s32 $0x1  }
.Ltmp0:
0x8: {  	s8 =	sshrl.u32 s4, $0xA;
	s7 =	simm.s32 @!p0 $0x0;
	(pc) =	sbr.rel .LBB1_1-.Ltmp0, $4  }
0x9: {  	s9 =	sor.u32 s0, s5;
	s4 =	simm.s32 $0x1;
	s30 =	sadd.s32 s7, s8  }
0xa: {  	s11 =	smov.u32 s3;
	[sflag:s4] =	ssyncpa.u1 $0x0;
	s5 =	smul.u32 $0x32, s30  }
0xb: {  	[sflag:s31] =	ssyncpa.u1 $0x0;
	p0 =	por $0x0, $0x0;
	s7 =	sshrl.u32 s9, $0x3  }
0xc: {  	s9 =	simm.s32 $0x2000;
	s10 =	smov.u32 s7;
	s8 =	sor.u32 $0x1, s5  }
.LBB1_4:
0xd: {  	s17 =	sand.u32 $0x1F80, s14;
	s13 =	sshll.u32 s13, $0xD  }
0xe: {  	[tilespmem:s16+$0x810 ss:$0x81] =	vst.msk $0xffff, v2;
	s18 =	sshrl.u32 s14, $0x3;
	s31 =	sand.u32 $0x7, s14;
	s17 =	sadd.s32 s2, s17  }
0xf: {  	[tilespmem:s16+$0x1020 ss:$0x81] =	vst.msk $0xffff, v0;
	s18 =	sand.u32 $0xF, s18;
	s14 =	sshll.u32 s31, $0x12;
	s13 =	sadd.s32 s13, s17  }
0x10: {  	[tilespmem:s16+$0x0 ss:$0x81] =	vst.msk $0xffff, v1;
	s14 =	sor.u32 $0x400, s14;
	s13 =	sadd.s32 s18, s13  }
0x11: {  	[hbm4b:s13+s14] =	stream.strided.scatter [tilespmem:s15], [sflag:$0x2], $0x2000, s9, s14, $0x20;
	[tilespmem:$0x8080] =	vst v63  }
.LBB1_5:
0x12: {  	s15 =	sadd.s32 $0x4, s10  }
0x13: {  	s13 =	sadd.s32 $0x400, s11;
	s17 =	smov.u32 s11;
	p2 =	sgt.s32 s15, $0xC7  }
0x14: {  	s17 =	smov.u32 @p2 s13  }
0x15: {  	s15 =	smov.u32 @p2 s7;
	p2 =	sgt.s32 s17, $0x3FF  }
0x16: {  	s17 =	smov.u32 @p2 s3;
	p2 =	sne.s32 s12, s8  }
.Ltmp1:
0x17: {  	p1 =	slt.u32 s12, $0x2;
	(pc) =	sbr.rel @!p2 .LBB1_6-.Ltmp1, $4  }
0x18: {  	s16 =	simm.s32 @!p1 $0x2  }
0x19: {  	s14 =	smov.u32 s11;
	p0 =	por !p0, !p0;
	_ =	swait.ge @!p1 [sflag:s16], $0x2000  }
0x1a: {  	s13 =	smov.u32 s10;
	[sflag:s16] =	ssyncset.done @!p1 $0x0;
	s10 =	smov.u32 s15  }
0x1b: {  	s12 =	sadd.s32 $0x1, s12;
	[sflag:s16] =	ssyncadd.s32 @!p1 $0xFFFFE000;
	s11 =	smov.u32 s17  }
.LBB1_1:
0x1c: {  	p1 =	sge.u32 s12, s5  }
0x1d: {  	s15 =	sand.u32 @!p1 $0x1FFFFFF, s10  }
0x1e: {  	s16 =	smulhi.u32 @!p1 $0x147AE15, s15;
	_ =	sdelay $0x1  }
0x1f: {  	s16 =	smul.u32 @!p1 $0xC8, s16  }
0x20: {  	s17 =	sxor.u32 @!p1 $0xFFFFFFFF, s12;
	s18 =	smul.u32 @!p1 $0xC80, s11  }
0x21: {  	s31 =	sadd.s32 $0xFFFFFFFF, s12;
	s17 =	sshll.u32 @!p1 s17, $0xD;
	s15 =	ssub.s32 @!p1 s15, s16  }
0x22: {  	s16 =	sand.u32 @!p1 $0x2000, s17;
	s17 =	sadd.s32 @!p1 s6, s18;
	s15 =	sshll.u32 @!p1 s15, $0x4  }
0x23: {  	s18 =	simm.s32 @!p1 $0x6400;
	s15 =	sadd.s32 @!p1 s15, s17;
	s17 =	simm.s32 @!p1 $0x40  }
0x24: {  	[tilespmem:s16], [sflag:$0x1] =	stream.strided.gather @!p1 [hbm4b:s15+s17], $0x2000, s18, s17, $0x38;
	[tilespmem:$0x8080] =	vst v63  }
0x25: {  	p1 =	sge.u32 s31, s5  }
.Ltmp2:
0x26: {  	_ = 	snop;
	(pc) =	sbr.rel @p1 .LBB1_5-.Ltmp2, $1  }
0x27: {  	_ =	sdelay $0x3  }
0x28: {  	s15 =	simm.s32 $0x1  }
0x29: {  	_ =	swait.ge [sflag:s4], $0x2000;
	s15 =	simm.s32 @!p0 $0x0  }
0x2a: {  	[sflag:s4] =	ssyncset.done $0x0;
	s16 =	sshll.u32 s15, $0xD  }
0x2b: {  	[sflag:s4] =	ssyncadd.s32 $0xFFFFE000;
	s19 =	sor.u32 $0x20, s16  }
0x2c: {  	s15 =	smul.u32 $0x8100, s15;
	v3 =	vld [tilespmem:s19+$0x10]  }
0x2d: {  	s30 =	sand.u32 $0x1, s12;
	v2 =	vld [tilespmem:s19+$0xFFFFFFF0]  }
0x2e: {  	s16 =	smul.u32 $0x8100, s30;
	s15 =	sshrl.u32 s15, $0x2;
	v0 =	vld [tilespmem:s19+$0x0]  }
0x2f: {  	v1 =	vld [tilespmem:s19+$0xFFFFFFE0];
	s17 =	sor.u32 $0x4000, s15  }
0x30: {  	s31 =	sshrl.u32 s16, $0x2;
	s16 =	sadd.s32 $0x0, s17  }
0x31: {  	s18 =	simm.s32 $0x4;
	s19 =	sadd.s32 $0x40, s19;
	s15 =	sor.u32 $0x4000, s31;
	[tilespmem:s16+$0x1830 ss:$0x81] =	vst.msk $0xffff, v3  }
.LBB1_3:
0x32: {  	v3 =	vld [tilespmem:s19+$0x10];
	p1 =	sne.s32 s18, $0x1FC;
	[tilespmem:s16+$0x810 ss:$0x81] =	vst.msk $0xffff, v2;
	s20 =	smov.u32 s18;
	s18 =	sadd.s32 $0x4, s18  }
.Ltmp3:
0x33: {  	v2 =	vld [tilespmem:s19+$0xFFFFFFF0];
	[tilespmem:s16+$0x1020 ss:$0x81] =	vst.msk $0xffff, v0;
	(pc) =	sbr.rel @p1 .LBB1_3-.Ltmp3, $4  }
0x34: {  	v0 =	vld [tilespmem:s19+$0x0];
	[tilespmem:s16+$0x0 ss:$0x81] =	vst.msk $0xffff, v1  }
0x35: {  	s16 =	sshra.s32 s20, $0x2;
	v1 =	vld [tilespmem:s19+$0xFFFFFFE0]  }
0x36: {  	s16 =	sadd.s32 s16, s17  }
0x37: {  	s19 =	sadd.s32 $0x40, s19;
	[tilespmem:s16+$0x1830 ss:$0x81] =	vst.msk $0xffff, v3  }
.Ltmp4:
0x38: {  	_ = 	snop;
	(pc) =	sbr.rel .LBB1_4-.Ltmp4, $1  }
0x39: {  	_ =	sdelay $0x3  }
.LBB1_6:
0x3a: {  	_ =	sfence.sel $0x180000  }
0x3b: {  	s2 =	simm.s32 $0x1;
	[bflag:$0x0] =	sbarrier.arrive $0xFFFF  }
0x3c: {  	s31 =	simm.s32 $0x2;
	[sflag:s2] =	ssyncpa.u1 $0x1  }
0x3d: {  	[sflag:s31] =	ssyncpa.u1 $0x1  }
0x3e: {  	p0 =	sne.s32 s0, $0x0;
	_ =	strace $0x9000004A  }
0x3f: {  	s0 =	sadd.s32 @!p0 $0x100000, s1;
	[bflag:$0x2] =	sbarrier.arrive $0xFFFF  }
0x40: {  	[sflag:s0] =	ssyncadd.tile.s32 @!p0 $0x1;
	_ =	shalt  }
.Lfunc_end1:
_tile_overlayer_lowered:
.L_overlay_start_2:
0x41: {  	(tag) =	ssettag $0x2  }
0x42: {  	s0 =	rddreg [dreg:$0x0];
	s2 =	stileid.u32  }
0x43: {  	s1 =	rddreg [dreg:$0x1];
	p0 =	sne.s32 s2, $0x0  }
0x44: {  	s3 =	rddreg [dreg:$0x2];
	[bflag:$0x3] =	sbarrier.arrive $0xFFFF;
	s2 =	simm.s32 @!p0 $0x1C01  }
0x45: {  	[timem:s3], [sflag:s2] =	dma.local @!p0 [hbm:s0], s1  }
0x46: {  	s0 =	simm.s32 @!p0 $0x1  }
0x47: {  	_ =	swait.ge @!p0 [sflag:s0], s1  }
0x48: {  	s1 =	ssub.s32 @!p0 $0x0, s1;
	[sflag:s0] =	ssyncset.done @!p0 $0x0  }
0x49: {  	[sflag:s0] =	ssyncadd.s32 @!p0 s1  }
0x4a: {  	[bflag:$0x3] =	sbarrier.arrive $0xFFFF  }
0x4b: {  	_ =	shalt  }

</sc_bundles>
